<compile_context>
chip_gen: v7x
topology: tpu7x:2x2x1
jax: 0.10.2.dev20260603
libtpu: 0.0.44.dev20260713+nightly
codegen_flags: <defaults>
</compile_context>

<pallas_src>
import jax
import jax.numpy as jnp
from jax import lax
from jax.experimental import pallas as pl
from jax.experimental.pallas import tpu as pltpu
from jax.experimental.pallas import tpu_sc as plsc

_R, _N = 128, 32768
_SCR = 32
_NSL = 8
_SLC = _N // _NSL
_CHUNK = 2048
_NCHUNKS = _SLC // _CHUNK
_BR = 32
_BIG = 2**30


def _sc_argmax_body(probs_hbm, maxes_hbm, idxs_hbm, buf_v, res_v, tmp_v, sem0, sem1):
    c = lax.axis_index("c")
    s = lax.axis_index("s")
    wid = c * 16 + s
    g = wid // _NSL
    sl = wid % _NSL
    row0 = g * 8
    col0 = sl * _SLC
    lanes = lax.iota(jnp.int32, 16)
    sems = [sem0, sem1]

    def chunk_src(ci):
        return probs_hbm.at[pl.ds(row0, 8), pl.ds(col0 + ci * _CHUNK, _CHUNK)]

    cp = pltpu.async_copy(chunk_src(0), buf_v.at[0], sems[0])
    maxv = [jnp.full((16,), -1.0, jnp.float32) for _ in range(8)]
    maxj = [jnp.zeros((16,), jnp.int32) for _ in range(8)]
    for ci in range(_NCHUNKS):
        b = ci % 2
        cp_next = None
        if ci + 1 < _NCHUNKS:
            cp_next = pltpu.async_copy(
                chunk_src(ci + 1), buf_v.at[(ci + 1) % 2], sems[(ci + 1) % 2]
            )
        cp.wait()

        def body(j, state):
            out = []
            jg = ci * (_CHUNK // 16) + j
            for r in range(8):
                m, mj = state[2 * r], state[2 * r + 1]
                x = buf_v[b, r, pl.ds(j * 16, 16)]
                gt = x > m
                out.append(jnp.where(gt, x, m))
                out.append(jnp.where(gt, jg, mj))
            return tuple(out)

        state = []
        for r in range(8):
            state += [maxv[r], maxj[r]]
        state = lax.fori_loop(0, _CHUNK // 16, body, tuple(state))
        for r in range(8):
            maxv[r], maxj[r] = state[2 * r], state[2 * r + 1]
        cp = cp_next

    gmax_vec = jnp.zeros((16,), jnp.float32)
    gidx_vec = jnp.zeros((16,), jnp.int32)
    for r in range(8):
        gmax = jnp.max(maxv[r], axis=0)
        ei = maxj[r] * 16 + lanes + col0
        cand = jnp.where(maxv[r] == gmax, ei, _BIG)
        gidx = jnp.min(cand, axis=0)
        gmax_vec = jnp.where(lanes == r, gmax, gmax_vec)
        gidx_vec = jnp.where(lanes == r, gidx, gidx_vec)

    res_v[pl.ds(0, 16)] = gmax_vec
    tmp_v[pl.ds(0, 16)] = gidx_vec
    pltpu.sync_copy(res_v, maxes_hbm.at[pl.ds(wid * 16, 16)])
    pltpu.sync_copy(tmp_v, idxs_hbm.at[pl.ds(wid * 16, 16)])


_sc_argmax = pl.kernel(
    _sc_argmax_body,
    out_type=(
        jax.ShapeDtypeStruct((512,), jnp.float32),
        jax.ShapeDtypeStruct((512,), jnp.int32),
    ),
    mesh=plsc.VectorSubcoreMesh(core_axis_name="c", subcore_axis_name="s"),
    scratch_types=[
        pltpu.VMEM((2, 8, _CHUNK), jnp.float32),
        pltpu.VMEM((16,), jnp.float32),
        pltpu.VMEM((16,), jnp.int32),
        pltpu.SemaphoreType.DMA,
        pltpu.SemaphoreType.DMA,
    ],
    compiler_params=pltpu.CompilerParams(needs_layout_passes=False),
)


def _argmax_body(x_ref, idx_ref):
    x = x_ref[...]
    m = jnp.max(x, axis=1, keepdims=True)
    iota = lax.broadcasted_iota(jnp.int32, x.shape, 1)
    idx_ref[...] = jnp.min(jnp.where(x == m, iota, _N), axis=1, keepdims=True)


def _argmax_tc(probs):
    return pl.pallas_call(
        _argmax_body,
        grid=((_R - _SCR) // _BR,),
        in_specs=[pl.BlockSpec((_BR, _N), lambda i: (i + 1, 0))],
        out_specs=pl.BlockSpec((_BR, 1), lambda i: (i, 0)),
        out_shape=jax.ShapeDtypeStruct((_R - _SCR, 1), jnp.int32),
    )(probs)


def kernel(probs):
    maxes, idxs = _sc_argmax(probs)
    idx_tc = _argmax_tc(probs)
    m8 = maxes.reshape(4, _NSL, 16)[:, :, :8]
    i8 = idxs.reshape(4, _NSL, 16)[:, :, :8]
    best = m8.max(axis=1)
    idx_sc = jnp.min(jnp.where(m8 == best[:, None, :], i8, _BIG), axis=1)
    idx_all = jnp.concatenate([idx_sc.reshape(_SCR), idx_tc.reshape(_R - _SCR)])
    return jnp.arange(_N, dtype=jnp.int32)[None, :] == idx_all[:, None]

# --- scband reference (transcript-rebuilt; emitter-appended) ---
"""Pipeline reference for scband-probs-to-one-hot-58746562674723 (READ-ONLY COPY).

The authoritative reference and input builder live on the scoring server;
editing this copy changes nothing except your own understanding.
"""

import jax, jax.numpy as jnp
import numpy as np


def setup_inputs(seed: int = 0) -> dict:
    key = jax.random.key(seed)
    probs = jax.random.uniform(key, (128, 32768), dtype=jnp.float32)
    return {"probs": probs}


def reference(probs):
    # probs_to_onehot: argmax along the last dim, then one-hot encode to bool
    idx = jnp.argmax(probs, axis=-1)
    n = probs.shape[-1]
    onehot = (jnp.arange(n, dtype=idx.dtype)[None, :] == idx[:, None])
    return onehot.astype(jnp.bool_)

if __name__ == "__main__":
    import jax
    _d = setup_inputs()
    print(jax.jit(kernel)(*tuple(_d.values())))

</pallas_src>

<mosaic_0001>
#map = affine_map<(d0, d1) -> (0, 0)>
#map1 = affine_map<(d0, d1) -> (0)>
module attributes {stable_mosaic.version = 14 : i64} {
  func.func @_sc_argmax_body(%arg0: i32, %arg1: i32, %arg2: memref<128x32768xf32, #tpu.memory_space<hbm>>, %arg3: memref<512xf32, #tpu.memory_space<hbm>>, %arg4: memref<512xi32, #tpu.memory_space<hbm>>, %arg5: memref<2x8x2048xf32, #tpu.memory_space<vmem>>, %arg6: memref<16xf32, #tpu.memory_space<vmem>>, %arg7: memref<16xi32, #tpu.memory_space<vmem>>, %arg8: memref<!tpu.dma_semaphore, #tpu.memory_space<semaphore_mem>>, %arg9: memref<!tpu.dma_semaphore, #tpu.memory_space<semaphore_mem>>) attributes {dimension_semantics = [#tpu.dimension_semantics<core_parallel>, #tpu.dimension_semantics<subcore_parallel>], iteration_bounds = array<i64: 2, 16>, scalar_prefetch = 0 : i64, scratch_operands = 5 : i64, tpu.core_type = #tpu.core_type<sc_vector_subcore>, window_params = [{transform_indices = #map}, {transform_indices = #map1}, {transform_indices = #map1}]} {
    %mul3A = arith.constant 16 : i32
    %mul3A_0 = arith.muli %arg0, %mul3A : i32
    %add3A = arith.addi %mul3A_0, %arg1 : i32
    %jit3A = arith.constant 8 : i32
    %div3A = arith.divsi %add3A, %jit3A : i32
    %sign3A = arith.constant 0 : i32
    %sign3A_1 = arith.cmpi sgt, %add3A, %sign3A : i32
    %sign3A_2 = arith.extui %sign3A_1 : i1 to i32
    %sign3A_3 = arith.constant 0 : i32
    %sign3A_4 = arith.cmpi slt, %add3A, %sign3A_3 : i32
    %sign3A_5 = arith.extui %sign3A_4 : i1 to i32
    %sign3A_6 = arith.subi %sign3A_2, %sign3A_5 : i32
    %sign3A_7 = arith.constant 0 : i32
    %sign3A_8 = arith.cmpi sgt, %jit3A, %sign3A_7 : i32
    %sign3A_9 = arith.extui %sign3A_8 : i1 to i32
    %sign3A_10 = arith.constant 0 : i32
    %sign3A_11 = arith.cmpi slt, %jit3A, %sign3A_10 : i32
    %sign3A_12 = arith.extui %sign3A_11 : i1 to i32
    %sign3A_13 = arith.subi %sign3A_9, %sign3A_12 : i32
    %ne3A = arith.cmpi ne, %sign3A_6, %sign3A_13 : i32
    %rem3A = arith.remsi %add3A, %jit3A : i32
    %ne3A_14 = arith.constant 0 : i32
    %ne3A_15 = arith.cmpi ne, %rem3A, %ne3A_14 : i32
    %and3A = arith.andi %ne3A, %ne3A_15 : i1
    %sub3A = arith.constant 1 : i32
    %sub3A_16 = arith.subi %div3A, %sub3A : i32
    %select_n3A = arith.select %and3A, %sub3A_16, %div3A : i32
    %jit3A_17 = arith.constant 8 : i32
    %eq3A = arith.constant 0 : i32
    %eq3A_18 = arith.cmpi eq, %jit3A_17, %eq3A : i32
    %jit3A_19 = arith.constant 1 : i32
    %select_n3A_20 = arith.select %eq3A_18, %jit3A_19, %jit3A_17 : i32
    %rem3A_21 = arith.remsi %add3A, %select_n3A_20 : i32
    %ne3A_22 = arith.constant 0 : i32
    %ne3A_23 = arith.cmpi ne, %rem3A_21, %ne3A_22 : i32
    %lt3A = arith.constant 0 : i32
    %lt3A_24 = arith.cmpi slt, %rem3A_21, %lt3A : i32
    %lt3A_25 = arith.constant 0 : i32
    %lt3A_26 = arith.cmpi slt, %select_n3A_20, %lt3A_25 : i32
    %ne3A_27 = arith.xori %lt3A_24, %lt3A_26 : i1
    %and3A_28 = arith.andi %ne3A_27, %ne3A_23 : i1
    %add3A_29 = arith.addi %rem3A_21, %select_n3A_20 : i32
    %select_n3A_30 = arith.select %and3A_28, %add3A_29, %rem3A_21 : i32
    %mul3A_31 = arith.constant 8 : i32
    %mul3A_32 = arith.muli %select_n3A, %mul3A_31 : i32
    %mul3A_33 = arith.constant 4096 : i32
    %mul3A_34 = arith.muli %select_n3A_30, %mul3A_33 : i32
    %iota3A = tpu.iota {dimensions = array<i32: 0>} : vector<16xi32>
    %add3A_35 = arith.constant 0 : i32
    %add3A_36 = arith.addi %mul3A_34, %add3A_35 : i32
    %dma_start3A = arith.constant 0 : i32
    %dma_start3A_37 = arith.constant 0 : i32
    %dma_start3A_38 = arith.constant 0 : i32
    %dma_start3A_39 = tpu.memref_slice %arg5[%dma_start3A, %dma_start3A_37, %dma_start3A_38] : memref<2x8x2048xf32, #tpu.memory_space<vmem>> -> memref<1x8x2048xf32, #tpu.memory_space<vmem>>
    %dma_start3A_40 = tpu.memref_squeeze %dma_start3A_39 : memref<1x8x2048xf32, #tpu.memory_space<vmem>> -> memref<8x2048xf32, #tpu.memory_space<vmem>>
    %dma_start3A_41 = tpu.memref_slice %arg2[%mul3A_32, %add3A_36] : memref<128x32768xf32, #tpu.memory_space<hbm>> -> memref<8x2048xf32, #tpu.memory_space<hbm>>
    %dma_start3A_42 = arith.constant 0 : i32
    %dma_start3A_43 = arith.constant 0 : i32
    %dma_start3A_44 = tpu.memref_slice %arg5[%dma_start3A, %dma_start3A_42, %dma_start3A_43] : memref<2x8x2048xf32, #tpu.memory_space<vmem>> -> memref<1x8x2048xf32, #tpu.memory_space<vmem>>
    %dma_start3A_45 = tpu.memref_squeeze %dma_start3A_44 : memref<1x8x2048xf32, #tpu.memory_space<vmem>> -> memref<8x2048xf32, #tpu.memory_space<vmem>>
    %dma_start3A_46 = tpu.memref_slice %arg2[%mul3A_32, %add3A_36] : memref<128x32768xf32, #tpu.memory_space<hbm>> -> memref<8x2048xf32, #tpu.memory_space<hbm>>
    tpu.enqueue_dma source(%dma_start3A_46 : memref<8x2048xf32, #tpu.memory_space<hbm>>) target(%dma_start3A_45 : memref<8x2048xf32, #tpu.memory_space<vmem>>) target_semaphore(%arg8 : memref<!tpu.dma_semaphore, #tpu.memory_space<semaphore_mem>>)
    %broadcast_in_dim3A = arith.constant -1.000000e+00 : f32
    %broadcast_in_dim3A_47 = vector.broadcast %broadcast_in_dim3A : f32 to vector<16xf32>
    %broadcast_in_dim3A_48 = arith.constant -1.000000e+00 : f32
    %broadcast_in_dim3A_49 = vector.broadcast %broadcast_in_dim3A_48 : f32 to vector<16xf32>
    %broadcast_in_dim3A_50 = arith.constant -1.000000e+00 : f32
    %broadcast_in_dim3A_51 = vector.broadcast %broadcast_in_dim3A_50 : f32 to vector<16xf32>
    %broadcast_in_dim3A_52 = arith.constant -1.000000e+00 : f32
    %broadcast_in_dim3A_53 = vector.broadcast %broadcast_in_dim3A_52 : f32 to vector<16xf32>
    %broadcast_in_dim3A_54 = arith.constant -1.000000e+00 : f32
    %broadcast_in_dim3A_55 = vector.broadcast %broadcast_in_dim3A_54 : f32 to vector<16xf32>
    %broadcast_in_dim3A_56 = arith.constant -1.000000e+00 : f32
    %broadcast_in_dim3A_57 = vector.broadcast %broadcast_in_dim3A_56 : f32 to vector<16xf32>
    %broadcast_in_dim3A_58 = arith.constant -1.000000e+00 : f32
    %broadcast_in_dim3A_59 = vector.broadcast %broadcast_in_dim3A_58 : f32 to vector<16xf32>
    %broadcast_in_dim3A_60 = arith.constant -1.000000e+00 : f32
    %broadcast_in_dim3A_61 = vector.broadcast %broadcast_in_dim3A_60 : f32 to vector<16xf32>
    %broadcast_in_dim3A_62 = arith.constant 0 : i32
    %broadcast_in_dim3A_63 = vector.broadcast %broadcast_in_dim3A_62 : i32 to vector<16xi32>
    %broadcast_in_dim3A_64 = arith.constant 0 : i32
    %broadcast_in_dim3A_65 = vector.broadcast %broadcast_in_dim3A_64 : i32 to vector<16xi32>
    %broadcast_in_dim3A_66 = arith.constant 0 : i32
    %broadcast_in_dim3A_67 = vector.broadcast %broadcast_in_dim3A_66 : i32 to vector<16xi32>
    %broadcast_in_dim3A_68 = arith.constant 0 : i32
    %broadcast_in_dim3A_69 = vector.broadcast %broadcast_in_dim3A_68 : i32 to vector<16xi32>
    %broadcast_in_dim3A_70 = arith.constant 0 : i32
    %broadcast_in_dim3A_71 = vector.broadcast %broadcast_in_dim3A_70 : i32 to vector<16xi32>
    %broadcast_in_dim3A_72 = arith.constant 0 : i32
    %broadcast_in_dim3A_73 = vector.broadcast %broadcast_in_dim3A_72 : i32 to vector<16xi32>
    %broadcast_in_dim3A_74 = arith.constant 0 : i32
    %broadcast_in_dim3A_75 = vector.broadcast %broadcast_in_dim3A_74 : i32 to vector<16xi32>
    %broadcast_in_dim3A_76 = arith.constant 0 : i32
    %broadcast_in_dim3A_77 = vector.broadcast %broadcast_in_dim3A_76 : i32 to vector<16xi32>
    %add3A_78 = arith.constant 2048 : i32
    %add3A_79 = arith.addi %mul3A_34, %add3A_78 : i32
    %dma_start3A_80 = arith.constant 1 : i32
    %dma_start3A_81 = arith.constant 0 : i32
    %dma_start3A_82 = arith.constant 0 : i32
    %dma_start3A_83 = tpu.memref_slice %arg5[%dma_start3A_80, %dma_start3A_81, %dma_start3A_82] : memref<2x8x2048xf32, #tpu.memory_space<vmem>> -> memref<1x8x2048xf32, #tpu.memory_space<vmem>>
    %dma_start3A_84 = tpu.memref_squeeze %dma_start3A_83 : memref<1x8x2048xf32, #tpu.memory_space<vmem>> -> memref<8x2048xf32, #tpu.memory_space<vmem>>
    %dma_start3A_85 = tpu.memref_slice %arg2[%mul3A_32, %add3A_79] : memref<128x32768xf32, #tpu.memory_space<hbm>> -> memref<8x2048xf32, #tpu.memory_space<hbm>>
    %dma_start3A_86 = arith.constant 0 : i32
    %dma_start3A_87 = arith.constant 0 : i32
    %dma_start3A_88 = tpu.memref_slice %arg5[%dma_start3A_80, %dma_start3A_86, %dma_start3A_87] : memref<2x8x2048xf32, #tpu.memory_space<vmem>> -> memref<1x8x2048xf32, #tpu.memory_space<vmem>>
    %dma_start3A_89 = tpu.memref_squeeze %dma_start3A_88 : memref<1x8x2048xf32, #tpu.memory_space<vmem>> -> memref<8x2048xf32, #tpu.memory_space<vmem>>
    %dma_start3A_90 = tpu.memref_slice %arg2[%mul3A_32, %add3A_79] : memref<128x32768xf32, #tpu.memory_space<hbm>> -> memref<8x2048xf32, #tpu.memory_space<hbm>>
    tpu.enqueue_dma source(%dma_start3A_90 : memref<8x2048xf32, #tpu.memory_space<hbm>>) target(%dma_start3A_89 : memref<8x2048xf32, #tpu.memory_space<vmem>>) target_semaphore(%arg9 : memref<!tpu.dma_semaphore, #tpu.memory_space<semaphore_mem>>)
    %dma_wait3A = arith.constant 0 : i32
    %dma_wait3A_91 = arith.constant 0 : i32
    %dma_wait3A_92 = arith.constant 0 : i32
    %dma_wait3A_93 = tpu.memref_slice %arg5[%dma_wait3A, %dma_wait3A_91, %dma_wait3A_92] : memref<2x8x2048xf32, #tpu.memory_space<vmem>> -> memref<1x8x2048xf32, #tpu.memory_space<vmem>>
    %dma_wait3A_94 = tpu.memref_squeeze %dma_wait3A_93 : memref<1x8x2048xf32, #tpu.memory_space<vmem>> -> memref<8x2048xf32, #tpu.memory_space<vmem>>
    %dma_wait3A_95 = tpu.memref_slice %arg2[%mul3A_32, %add3A_36] : memref<128x32768xf32, #tpu.memory_space<hbm>> -> memref<8x2048xf32, #tpu.memory_space<hbm>>
    %dma_wait3A_96 = arith.constant 0 : i32
    %dma_wait3A_97 = arith.constant 0 : i32
    %dma_wait3A_98 = tpu.memref_slice %arg5[%dma_wait3A, %dma_wait3A_96, %dma_wait3A_97] : memref<2x8x2048xf32, #tpu.memory_space<vmem>> -> memref<1x8x2048xf32, #tpu.memory_space<vmem>>
    %dma_wait3A_99 = tpu.memref_squeeze %dma_wait3A_98 : memref<1x8x2048xf32, #tpu.memory_space<vmem>> -> memref<8x2048xf32, #tpu.memory_space<vmem>>
    %dma_wait3A_100 = tpu.memref_slice %arg2[%mul3A_32, %add3A_36] : memref<128x32768xf32, #tpu.memory_space<hbm>> -> memref<8x2048xf32, #tpu.memory_space<hbm>>
    tpu.wait_dma2 semaphore(%arg8 : memref<!tpu.dma_semaphore, #tpu.memory_space<semaphore_mem>>) src(%dma_wait3A_100 : memref<8x2048xf32, #tpu.memory_space<hbm>>) dst(%dma_wait3A_99 : memref<8x2048xf32, #tpu.memory_space<vmem>>)
    %scan3A = arith.constant 0 : i32
    %scan3A_101 = arith.constant 128 : i32
    %scan3A_102 = arith.addi %scan3A, %scan3A_101 : i32
    %scan3A_103 = arith.constant 1 : i32
    %scan3A_104:16 = scf.for %scan3A_396 = %scan3A to %scan3A_102 step %scan3A_103 iter_args(%scan3A_397 = %broadcast_in_dim3A_47, %scan3A_398 = %broadcast_in_dim3A_63, %scan3A_399 = %broadcast_in_dim3A_49, %scan3A_400 = %broadcast_in_dim3A_65, %scan3A_401 = %broadcast_in_dim3A_51, %scan3A_402 = %broadcast_in_dim3A_67, %scan3A_403 = %broadcast_in_dim3A_53, %scan3A_404 = %broadcast_in_dim3A_69, %scan3A_405 = %broadcast_in_dim3A_55, %scan3A_406 = %broadcast_in_dim3A_71, %scan3A_407 = %broadcast_in_dim3A_57, %scan3A_408 = %broadcast_in_dim3A_73, %scan3A_409 = %broadcast_in_dim3A_59, %scan3A_410 = %broadcast_in_dim3A_75, %scan3A_411 = %broadcast_in_dim3A_61, %scan3A_412 = %broadcast_in_dim3A_77) -> (vector<16xf32>, vector<16xi32>, vector<16xf32>, vector<16xi32>, vector<16xf32>, vector<16xi32>, vector<16xf32>, vector<16xi32>, vector<16xf32>, vector<16xi32>, vector<16xf32>, vector<16xi32>, vector<16xf32>, vector<16xi32>, vector<16xf32>, vector<16xi32>)  : i32 {
      %add3A_413 = arith.constant 0 : i32
      %add3A_414 = arith.addi %add3A_413, %scan3A_396 : i32
      %mul3A_415 = arith.constant 16 : i32
      %mul3A_416 = arith.muli %scan3A_396, %mul3A_415 : i32
      %get3A = arith.constant 0 : i32
      %get3A_417 = arith.constant 0 : i32
      %get3A_418 = arith.index_cast %get3A : i32 to index
      %get3A_419 = arith.index_cast %get3A_417 : i32 to index
      %get3A_420 = arith.index_cast %mul3A_416 : i32 to index
      %get3A_421 = tpu.vector_load %arg5[%get3A_418, %get3A_419, %get3A_420] {strides = array<i32>} : memref<2x8x2048xf32, #tpu.memory_space<vmem>>, vector<16xf32>,
      %gt3A = arith.cmpf ogt, %get3A_421, %scan3A_397 : vector<16xf32>
      %select_n3A_422 = arith.select %gt3A, %get3A_421, %scan3A_397 : vector<16xi1>, vector<16xf32>
      %broadcast_in_dim3A_423 = vector.broadcast %add3A_414 : i32 to vector<16xi32>
      %select_n3A_424 = arith.select %gt3A, %broadcast_in_dim3A_423, %scan3A_398 : vector<16xi1>, vector<16xi32>
      %mul3A_425 = arith.constant 16 : i32
      %mul3A_426 = arith.muli %scan3A_396, %mul3A_425 : i32
      %get3A_427 = arith.constant 0 : i32
      %get3A_428 = arith.constant 1 : i32
      %get3A_429 = arith.index_cast %get3A_427 : i32 to index
      %get3A_430 = arith.index_cast %get3A_428 : i32 to index
      %get3A_431 = arith.index_cast %mul3A_426 : i32 to index
      %get3A_432 = tpu.vector_load %arg5[%get3A_429, %get3A_430, %get3A_431] {strides = array<i32>} : memref<2x8x2048xf32, #tpu.memory_space<vmem>>, vector<16xf32>,
      %gt3A_433 = arith.cmpf ogt, %get3A_432, %scan3A_399 : vector<16xf32>
      %select_n3A_434 = arith.select %gt3A_433, %get3A_432, %scan3A_399 : vector<16xi1>, vector<16xf32>
      %broadcast_in_dim3A_435 = vector.broadcast %add3A_414 : i32 to vector<16xi32>
      %select_n3A_436 = arith.select %gt3A_433, %broadcast_in_dim3A_435, %scan3A_400 : vector<16xi1>, vector<16xi32>
      %mul3A_437 = arith.constant 16 : i32
      %mul3A_438 = arith.muli %scan3A_396, %mul3A_437 : i32
      %get3A_439 = arith.constant 0 : i32
      %get3A_440 = arith.constant 2 : i32
      %get3A_441 = arith.index_cast %get3A_439 : i32 to index
      %get3A_442 = arith.index_cast %get3A_440 : i32 to index
      %get3A_443 = arith.index_cast %mul3A_438 : i32 to index
      %get3A_444 = tpu.vector_load %arg5[%get3A_441, %get3A_442, %get3A_443] {strides = array<i32>} : memref<2x8x2048xf32, #tpu.memory_space<vmem>>, vector<16xf32>,
      %gt3A_445 = arith.cmpf ogt, %get3A_444, %scan3A_401 : vector<16xf32>
      %select_n3A_446 = arith.select %gt3A_445, %get3A_444, %scan3A_401 : vector<16xi1>, vector<16xf32>
      %broadcast_in_dim3A_447 = vector.broadcast %add3A_414 : i32 to vector<16xi32>
      %select_n3A_448 = arith.select %gt3A_445, %broadcast_in_dim3A_447, %scan3A_402 : vector<16xi1>, vector<16xi32>
      %mul3A_449 = arith.constant 16 : i32
      %mul3A_450 = arith.muli %scan3A_396, %mul3A_449 : i32
      %get3A_451 = arith.constant 0 : i32
      %get3A_452 = arith.constant 3 : i32
      %get3A_453 = arith.index_cast %get3A_451 : i32 to index
      %get3A_454 = arith.index_cast %get3A_452 : i32 to index
      %get3A_455 = arith.index_cast %mul3A_450 : i32 to index
      %get3A_456 = tpu.vector_load %arg5[%get3A_453, %get3A_454, %get3A_455] {strides = array<i32>} : memref<2x8x2048xf32, #tpu.memory_space<vmem>>, vector<16xf32>,
      %gt3A_457 = arith.cmpf ogt, %get3A_456, %scan3A_403 : vector<16xf32>
      %select_n3A_458 = arith.select %gt3A_457, %get3A_456, %scan3A_403 : vector<16xi1>, vector<16xf32>
      %broadcast_in_dim3A_459 = vector.broadcast %add3A_414 : i32 to vector<16xi32>
      %select_n3A_460 = arith.select %gt3A_457, %broadcast_in_dim3A_459, %scan3A_404 : vector<16xi1>, vector<16xi32>
      %mul3A_461 = arith.constant 16 : i32
      %mul3A_462 = arith.muli %scan3A_396, %mul3A_461 : i32
      %get3A_463 = arith.constant 0 : i32
      %get3A_464 = arith.constant 4 : i32
      %get3A_465 = arith.index_cast %get3A_463 : i32 to index
      %get3A_466 = arith.index_cast %get3A_464 : i32 to index
      %get3A_467 = arith.index_cast %mul3A_462 : i32 to index
      %get3A_468 = tpu.vector_load %arg5[%get3A_465, %get3A_466, %get3A_467] {strides = array<i32>} : memref<2x8x2048xf32, #tpu.memory_space<vmem>>, vector<16xf32>,
      %gt3A_469 = arith.cmpf ogt, %get3A_468, %scan3A_405 : vector<16xf32>
      %select_n3A_470 = arith.select %gt3A_469, %get3A_468, %scan3A_405 : vector<16xi1>, vector<16xf32>
      %broadcast_in_dim3A_471 = vector.broadcast %add3A_414 : i32 to vector<16xi32>
      %select_n3A_472 = arith.select %gt3A_469, %broadcast_in_dim3A_471, %scan3A_406 : vector<16xi1>, vector<16xi32>
      %mul3A_473 = arith.constant 16 : i32
      %mul3A_474 = arith.muli %scan3A_396, %mul3A_473 : i32
      %get3A_475 = arith.constant 0 : i32
      %get3A_476 = arith.constant 5 : i32
      %get3A_477 = arith.index_cast %get3A_475 : i32 to index
      %get3A_478 = arith.index_cast %get3A_476 : i32 to index
      %get3A_479 = arith.index_cast %mul3A_474 : i32 to index
      %get3A_480 = tpu.vector_load %arg5[%get3A_477, %get3A_478, %get3A_479] {strides = array<i32>} : memref<2x8x2048xf32, #tpu.memory_space<vmem>>, vector<16xf32>,
      %gt3A_481 = arith.cmpf ogt, %get3A_480, %scan3A_407 : vector<16xf32>
      %select_n3A_482 = arith.select %gt3A_481, %get3A_480, %scan3A_407 : vector<16xi1>, vector<16xf32>
      %broadcast_in_dim3A_483 = vector.broadcast %add3A_414 : i32 to vector<16xi32>
      %select_n3A_484 = arith.select %gt3A_481, %broadcast_in_dim3A_483, %scan3A_408 : vector<16xi1>, vector<16xi32>
      %mul3A_485 = arith.constant 16 : i32
      %mul3A_486 = arith.muli %scan3A_396, %mul3A_485 : i32
      %get3A_487 = arith.constant 0 : i32
      %get3A_488 = arith.constant 6 : i32
      %get3A_489 = arith.index_cast %get3A_487 : i32 to index
      %get3A_490 = arith.index_cast %get3A_488 : i32 to index
      %get3A_491 = arith.index_cast %mul3A_486 : i32 to index
      %get3A_492 = tpu.vector_load %arg5[%get3A_489, %get3A_490, %get3A_491] {strides = array<i32>} : memref<2x8x2048xf32, #tpu.memory_space<vmem>>, vector<16xf32>,
      %gt3A_493 = arith.cmpf ogt, %get3A_492, %scan3A_409 : vector<16xf32>
      %select_n3A_494 = arith.select %gt3A_493, %get3A_492, %scan3A_409 : vector<16xi1>, vector<16xf32>
      %broadcast_in_dim3A_495 = vector.broadcast %add3A_414 : i32 to vector<16xi32>
      %select_n3A_496 = arith.select %gt3A_493, %broadcast_in_dim3A_495, %scan3A_410 : vector<16xi1>, vector<16xi32>
      %mul3A_497 = arith.constant 16 : i32
      %mul3A_498 = arith.muli %scan3A_396, %mul3A_497 : i32
      %get3A_499 = arith.constant 0 : i32
      %get3A_500 = arith.constant 7 : i32
      %get3A_501 = arith.index_cast %get3A_499 : i32 to index
      %get3A_502 = arith.index_cast %get3A_500 : i32 to index
      %get3A_503 = arith.index_cast %mul3A_498 : i32 to index
      %get3A_504 = tpu.vector_load %arg5[%get3A_501, %get3A_502, %get3A_503] {strides = array<i32>} : memref<2x8x2048xf32, #tpu.memory_space<vmem>>, vector<16xf32>,
      %gt3A_505 = arith.cmpf ogt, %get3A_504, %scan3A_411 : vector<16xf32>
      %select_n3A_506 = arith.select %gt3A_505, %get3A_504, %scan3A_411 : vector<16xi1>, vector<16xf32>
      %broadcast_in_dim3A_507 = vector.broadcast %add3A_414 : i32 to vector<16xi32>
      %select_n3A_508 = arith.select %gt3A_505, %broadcast_in_dim3A_507, %scan3A_412 : vector<16xi1>, vector<16xi32>
      scf.yield %select_n3A_422, %select_n3A_424, %select_n3A_434, %select_n3A_436, %select_n3A_446, %select_n3A_448, %select_n3A_458, %select_n3A_460, %select_n3A_470, %select_n3A_472, %select_n3A_482, %select_n3A_484, %select_n3A_494, %select_n3A_496, %select_n3A_506, %select_n3A_508 : vector<16xf32>, vector<16xi32>, vector<16xf32>, vector<16xi32>, vector<16xf32>, vector<16xi32>, vector<16xf32>, vector<16xi32>, vector<16xf32>, vector<16xi32>, vector<16xf32>, vector<16xi32>, vector<16xf32>, vector<16xi32>, vector<16xf32>, vector<16xi32>
    }
    %scan3A_105 = arith.constant 128 : i32
    %dma_wait3A_106 = arith.constant 1 : i32
    %dma_wait3A_107 = arith.constant 0 : i32
    %dma_wait3A_108 = arith.constant 0 : i32
    %dma_wait3A_109 = tpu.memref_slice %arg5[%dma_wait3A_106, %dma_wait3A_107, %dma_wait3A_108] : memref<2x8x2048xf32, #tpu.memory_space<vmem>> -> memref<1x8x2048xf32, #tpu.memory_space<vmem>>
    %dma_wait3A_110 = tpu.memref_squeeze %dma_wait3A_109 : memref<1x8x2048xf32, #tpu.memory_space<vmem>> -> memref<8x2048xf32, #tpu.memory_space<vmem>>
    %dma_wait3A_111 = tpu.memref_slice %arg2[%mul3A_32, %add3A_79] : memref<128x32768xf32, #tpu.memory_space<hbm>> -> memref<8x2048xf32, #tpu.memory_space<hbm>>
    %dma_wait3A_112 = arith.constant 0 : i32
    %dma_wait3A_113 = arith.constant 0 : i32
    %dma_wait3A_114 = tpu.memref_slice %arg5[%dma_wait3A_106, %dma_wait3A_112, %dma_wait3A_113] : memref<2x8x2048xf32, #tpu.memory_space<vmem>> -> memref<1x8x2048xf32, #tpu.memory_space<vmem>>
    %dma_wait3A_115 = tpu.memref_squeeze %dma_wait3A_114 : memref<1x8x2048xf32, #tpu.memory_space<vmem>> -> memref<8x2048xf32, #tpu.memory_space<vmem>>
    %dma_wait3A_116 = tpu.memref_slice %arg2[%mul3A_32, %add3A_79] : memref<128x32768xf32, #tpu.memory_space<hbm>> -> memref<8x2048xf32, #tpu.memory_space<hbm>>
    tpu.wait_dma2 semaphore(%arg9 : memref<!tpu.dma_semaphore, #tpu.memory_space<semaphore_mem>>) src(%dma_wait3A_116 : memref<8x2048xf32, #tpu.memory_space<hbm>>) dst(%dma_wait3A_115 : memref<8x2048xf32, #tpu.memory_space<vmem>>)
    %scan3A_117 = arith.constant 0 : i32
    %scan3A_118 = arith.constant 128 : i32
    %scan3A_119 = arith.addi %scan3A_117, %scan3A_118 : i32
    %scan3A_120 = arith.constant 1 : i32
    %scan3A_121:16 = scf.for %scan3A_396 = %scan3A_117 to %scan3A_119 step %scan3A_120 iter_args(%scan3A_397 = %scan3A_104#0, %scan3A_398 = %scan3A_104#1, %scan3A_399 = %scan3A_104#2, %scan3A_400 = %scan3A_104#3, %scan3A_401 = %scan3A_104#4, %scan3A_402 = %scan3A_104#5, %scan3A_403 = %scan3A_104#6, %scan3A_404 = %scan3A_104#7, %scan3A_405 = %scan3A_104#8, %scan3A_406 = %scan3A_104#9, %scan3A_407 = %scan3A_104#10, %scan3A_408 = %scan3A_104#11, %scan3A_409 = %scan3A_104#12, %scan3A_410 = %scan3A_104#13, %scan3A_411 = %scan3A_104#14, %scan3A_412 = %scan3A_104#15) -> (vector<16xf32>, vector<16xi32>, vector<16xf32>, vector<16xi32>, vector<16xf32>, vector<16xi32>, vector<16xf32>, vector<16xi32>, vector<16xf32>, vector<16xi32>, vector<16xf32>, vector<16xi32>, vector<16xf32>, vector<16xi32>, vector<16xf32>, vector<16xi32>)  : i32 {
      %add3A_413 = arith.constant 128 : i32
      %add3A_414 = arith.addi %add3A_413, %scan3A_396 : i32
      %mul3A_415 = arith.constant 16 : i32
      %mul3A_416 = arith.muli %scan3A_396, %mul3A_415 : i32
      %get3A = arith.constant 1 : i32
      %get3A_417 = arith.constant 0 : i32
      %get3A_418 = arith.index_cast %get3A : i32 to index
      %get3A_419 = arith.index_cast %get3A_417 : i32 to index
      %get3A_420 = arith.index_cast %mul3A_416 : i32 to index
      %get3A_421 = tpu.vector_load %arg5[%get3A_418, %get3A_419, %get3A_420] {strides = array<i32>} : memref<2x8x2048xf32, #tpu.memory_space<vmem>>, vector<16xf32>,
      %gt3A = arith.cmpf ogt, %get3A_421, %scan3A_397 : vector<16xf32>
      %select_n3A_422 = arith.select %gt3A, %get3A_421, %scan3A_397 : vector<16xi1>, vector<16xf32>
      %broadcast_in_dim3A_423 = vector.broadcast %add3A_414 : i32 to vector<16xi32>
      %select_n3A_424 = arith.select %gt3A, %broadcast_in_dim3A_423, %scan3A_398 : vector<16xi1>, vector<16xi32>
      %mul3A_425 = arith.constant 16 : i32
      %mul3A_426 = arith.muli %scan3A_396, %mul3A_425 : i32
      %get3A_427 = arith.constant 1 : i32
      %get3A_428 = arith.constant 1 : i32
      %get3A_429 = arith.index_cast %get3A_427 : i32 to index
      %get3A_430 = arith.index_cast %get3A_428 : i32 to index
      %get3A_431 = arith.index_cast %mul3A_426 : i32 to index
      %get3A_432 = tpu.vector_load %arg5[%get3A_429, %get3A_430, %get3A_431] {strides = array<i32>} : memref<2x8x2048xf32, #tpu.memory_space<vmem>>, vector<16xf32>,
      %gt3A_433 = arith.cmpf ogt, %get3A_432, %scan3A_399 : vector<16xf32>
      %select_n3A_434 = arith.select %gt3A_433, %get3A_432, %scan3A_399 : vector<16xi1>, vector<16xf32>
      %broadcast_in_dim3A_435 = vector.broadcast %add3A_414 : i32 to vector<16xi32>
      %select_n3A_436 = arith.select %gt3A_433, %broadcast_in_dim3A_435, %scan3A_400 : vector<16xi1>, vector<16xi32>
      %mul3A_437 = arith.constant 16 : i32
      %mul3A_438 = arith.muli %scan3A_396, %mul3A_437 : i32
      %get3A_439 = arith.constant 1 : i32
      %get3A_440 = arith.constant 2 : i32
      %get3A_441 = arith.index_cast %get3A_439 : i32 to index
      %get3A_442 = arith.index_cast %get3A_440 : i32 to index
      %get3A_443 = arith.index_cast %mul3A_438 : i32 to index
      %get3A_444 = tpu.vector_load %arg5[%get3A_441, %get3A_442, %get3A_443] {strides = array<i32>} : memref<2x8x2048xf32, #tpu.memory_space<vmem>>, vector<16xf32>,
      %gt3A_445 = arith.cmpf ogt, %get3A_444, %scan3A_401 : vector<16xf32>
      %select_n3A_446 = arith.select %gt3A_445, %get3A_444, %scan3A_401 : vector<16xi1>, vector<16xf32>
      %broadcast_in_dim3A_447 = vector.broadcast %add3A_414 : i32 to vector<16xi32>
      %select_n3A_448 = arith.select %gt3A_445, %broadcast_in_dim3A_447, %scan3A_402 : vector<16xi1>, vector<16xi32>
      %mul3A_449 = arith.constant 16 : i32
      %mul3A_450 = arith.muli %scan3A_396, %mul3A_449 : i32
      %get3A_451 = arith.constant 1 : i32
      %get3A_452 = arith.constant 3 : i32
      %get3A_453 = arith.index_cast %get3A_451 : i32 to index
      %get3A_454 = arith.index_cast %get3A_452 : i32 to index
      %get3A_455 = arith.index_cast %mul3A_450 : i32 to index
      %get3A_456 = tpu.vector_load %arg5[%get3A_453, %get3A_454, %get3A_455] {strides = array<i32>} : memref<2x8x2048xf32, #tpu.memory_space<vmem>>, vector<16xf32>,
      %gt3A_457 = arith.cmpf ogt, %get3A_456, %scan3A_403 : vector<16xf32>
      %select_n3A_458 = arith.select %gt3A_457, %get3A_456, %scan3A_403 : vector<16xi1>, vector<16xf32>
      %broadcast_in_dim3A_459 = vector.broadcast %add3A_414 : i32 to vector<16xi32>
      %select_n3A_460 = arith.select %gt3A_457, %broadcast_in_dim3A_459, %scan3A_404 : vector<16xi1>, vector<16xi32>
      %mul3A_461 = arith.constant 16 : i32
      %mul3A_462 = arith.muli %scan3A_396, %mul3A_461 : i32
      %get3A_463 = arith.constant 1 : i32
      %get3A_464 = arith.constant 4 : i32
      %get3A_465 = arith.index_cast %get3A_463 : i32 to index
      %get3A_466 = arith.index_cast %get3A_464 : i32 to index
      %get3A_467 = arith.index_cast %mul3A_462 : i32 to index
      %get3A_468 = tpu.vector_load %arg5[%get3A_465, %get3A_466, %get3A_467] {strides = array<i32>} : memref<2x8x2048xf32, #tpu.memory_space<vmem>>, vector<16xf32>,
      %gt3A_469 = arith.cmpf ogt, %get3A_468, %scan3A_405 : vector<16xf32>
      %select_n3A_470 = arith.select %gt3A_469, %get3A_468, %scan3A_405 : vector<16xi1>, vector<16xf32>
      %broadcast_in_dim3A_471 = vector.broadcast %add3A_414 : i32 to vector<16xi32>
      %select_n3A_472 = arith.select %gt3A_469, %broadcast_in_dim3A_471, %scan3A_406 : vector<16xi1>, vector<16xi32>
      %mul3A_473 = arith.constant 16 : i32
      %mul3A_474 = arith.muli %scan3A_396, %mul3A_473 : i32
      %get3A_475 = arith.constant 1 : i32
      %get3A_476 = arith.constant 5 : i32
      %get3A_477 = arith.index_cast %get3A_475 : i32 to index
      %get3A_478 = arith.index_cast %get3A_476 : i32 to index
      %get3A_479 = arith.index_cast %mul3A_474 : i32 to index
      %get3A_480 = tpu.vector_load %arg5[%get3A_477, %get3A_478, %get3A_479] {strides = array<i32>} : memref<2x8x2048xf32, #tpu.memory_space<vmem>>, vector<16xf32>,
      %gt3A_481 = arith.cmpf ogt, %get3A_480, %scan3A_407 : vector<16xf32>
      %select_n3A_482 = arith.select %gt3A_481, %get3A_480, %scan3A_407 : vector<16xi1>, vector<16xf32>
      %broadcast_in_dim3A_483 = vector.broadcast %add3A_414 : i32 to vector<16xi32>
      %select_n3A_484 = arith.select %gt3A_481, %broadcast_in_dim3A_483, %scan3A_408 : vector<16xi1>, vector<16xi32>
      %mul3A_485 = arith.constant 16 : i32
      %mul3A_486 = arith.muli %scan3A_396, %mul3A_485 : i32
      %get3A_487 = arith.constant 1 : i32
      %get3A_488 = arith.constant 6 : i32
      %get3A_489 = arith.index_cast %get3A_487 : i32 to index
      %get3A_490 = arith.index_cast %get3A_488 : i32 to index
      %get3A_491 = arith.index_cast %mul3A_486 : i32 to index
      %get3A_492 = tpu.vector_load %arg5[%get3A_489, %get3A_490, %get3A_491] {strides = array<i32>} : memref<2x8x2048xf32, #tpu.memory_space<vmem>>, vector<16xf32>,
      %gt3A_493 = arith.cmpf ogt, %get3A_492, %scan3A_409 : vector<16xf32>
      %select_n3A_494 = arith.select %gt3A_493, %get3A_492, %scan3A_409 : vector<16xi1>, vector<16xf32>
      %broadcast_in_dim3A_495 = vector.broadcast %add3A_414 : i32 to vector<16xi32>
      %select_n3A_496 = arith.select %gt3A_493, %broadcast_in_dim3A_495, %scan3A_410 : vector<16xi1>, vector<16xi32>
      %mul3A_497 = arith.constant 16 : i32
      %mul3A_498 = arith.muli %scan3A_396, %mul3A_497 : i32
      %get3A_499 = arith.constant 1 : i32
      %get3A_500 = arith.constant 7 : i32
      %get3A_501 = arith.index_cast %get3A_499 : i32 to index
      %get3A_502 = arith.index_cast %get3A_500 : i32 to index
      %get3A_503 = arith.index_cast %mul3A_498 : i32 to index
      %get3A_504 = tpu.vector_load %arg5[%get3A_501, %get3A_502, %get3A_503] {strides = array<i32>} : memref<2x8x2048xf32, #tpu.memory_space<vmem>>, vector<16xf32>,
      %gt3A_505 = arith.cmpf ogt, %get3A_504, %scan3A_411 : vector<16xf32>
      %select_n3A_506 = arith.select %gt3A_505, %get3A_504, %scan3A_411 : vector<16xi1>, vector<16xf32>
      %broadcast_in_dim3A_507 = vector.broadcast %add3A_414 : i32 to vector<16xi32>
      %select_n3A_508 = arith.select %gt3A_505, %broadcast_in_dim3A_507, %scan3A_412 : vector<16xi1>, vector<16xi32>
      scf.yield %select_n3A_422, %select_n3A_424, %select_n3A_434, %select_n3A_436, %select_n3A_446, %select_n3A_448, %select_n3A_458, %select_n3A_460, %select_n3A_470, %select_n3A_472, %select_n3A_482, %select_n3A_484, %select_n3A_494, %select_n3A_496, %select_n3A_506, %select_n3A_508 : vector<16xf32>, vector<16xi32>, vector<16xf32>, vector<16xi32>, vector<16xf32>, vector<16xi32>, vector<16xf32>, vector<16xi32>, vector<16xf32>, vector<16xi32>, vector<16xf32>, vector<16xi32>, vector<16xf32>, vector<16xi32>, vector<16xf32>, vector<16xi32>
    }
    %scan3A_122 = arith.constant 128 : i32
    %broadcast_in_dim3A_123 = arith.constant 0.000000e+00 : f32
    %broadcast_in_dim3A_124 = vector.broadcast %broadcast_in_dim3A_123 : f32 to vector<16xf32>
    %broadcast_in_dim3A_125 = arith.constant 0 : i32
    %broadcast_in_dim3A_126 = vector.broadcast %broadcast_in_dim3A_125 : i32 to vector<16xi32>
    %reduce_max3A = arith.constant true
    %reduce_max3A_127 = vector.broadcast %reduce_max3A : i1 to vector<16xi1>
    %reduce_max3A_128 = tpu.scan <max>, %scan3A_121#0 masked %reduce_max3A_127 : vector<16xf32>, vector<16xi1> -> vector<16xf32>
    %reduce_max3A_129 = vector.extract %reduce_max3A_128[15] : f32 from vector<16xf32>
    %mul3A_130 = arith.constant 16 : i32
    %mul3A_131 = vector.broadcast %mul3A_130 : i32 to vector<16xi32>
    %mul3A_132 = arith.muli %scan3A_121#1, %mul3A_131 : vector<16xi32>
    %add3A_133 = arith.addi %mul3A_132, %iota3A : vector<16xi32>
    %add3A_134 = vector.broadcast %mul3A_34 : i32 to vector<16xi32>
    %add3A_135 = arith.addi %add3A_133, %add3A_134 : vector<16xi32>
    %eq3A_136 = vector.broadcast %reduce_max3A_129 : f32 to vector<16xf32>
    %eq3A_137 = arith.cmpf oeq, %scan3A_121#0, %eq3A_136 : vector<16xf32>
    %jit3A_138 = arith.constant 1073741824 : i32
    %broadcast_in_dim3A_139 = vector.broadcast %jit3A_138 : i32 to vector<16xi32>
    %select_n3A_140 = arith.select %eq3A_137, %add3A_135, %broadcast_in_dim3A_139 : vector<16xi1>, vector<16xi32>
    %reduce_min3A = arith.constant true
    %reduce_min3A_141 = vector.broadcast %reduce_min3A : i1 to vector<16xi1>
    %reduce_min3A_142 = arith.constant -2147483648 : i32
    %reduce_min3A_143 = vector.broadcast %reduce_min3A_142 : i32 to vector<16xi32>
    %reduce_min3A_144 = arith.xori %select_n3A_140, %reduce_min3A_143 : vector<16xi32>
    %reduce_min3A_145 = tpu.scan <min>, %reduce_min3A_144 masked %reduce_min3A_141 : vector<16xi32>, vector<16xi1> -> vector<16xi32>
    %reduce_min3A_146 = arith.xori %reduce_min3A_145, %reduce_min3A_143 : vector<16xi32>
    %reduce_min3A_147 = vector.extract %reduce_min3A_146[15] : i32 from vector<16xi32>
    %eq3A_148 = arith.constant 0 : i32
    %eq3A_149 = vector.broadcast %eq3A_148 : i32 to vector<16xi32>
    %eq3A_150 = arith.cmpi eq, %iota3A, %eq3A_149 : vector<16xi32>
    %broadcast_in_dim3A_151 = vector.broadcast %reduce_max3A_129 : f32 to vector<16xf32>
    %select_n3A_152 = arith.select %eq3A_150, %broadcast_in_dim3A_151, %broadcast_in_dim3A_124 : vector<16xi1>, vector<16xf32>
    %eq3A_153 = arith.constant 0 : i32
    %eq3A_154 = vector.broadcast %eq3A_153 : i32 to vector<16xi32>
    %eq3A_155 = arith.cmpi eq, %iota3A, %eq3A_154 : vector<16xi32>
    %broadcast_in_dim3A_156 = vector.broadcast %reduce_min3A_147 : i32 to vector<16xi32>
    %select_n3A_157 = arith.select %eq3A_155, %broadcast_in_dim3A_156, %broadcast_in_dim3A_126 : vector<16xi1>, vector<16xi32>
    %reduce_max3A_158 = arith.constant true
    %reduce_max3A_159 = vector.broadcast %reduce_max3A_158 : i1 to vector<16xi1>
    %reduce_max3A_160 = tpu.scan <max>, %scan3A_121#2 masked %reduce_max3A_159 : vector<16xf32>, vector<16xi1> -> vector<16xf32>
    %reduce_max3A_161 = vector.extract %reduce_max3A_160[15] : f32 from vector<16xf32>
    %mul3A_162 = arith.constant 16 : i32
    %mul3A_163 = vector.broadcast %mul3A_162 : i32 to vector<16xi32>
    %mul3A_164 = arith.muli %scan3A_121#3, %mul3A_163 : vector<16xi32>
    %add3A_165 = arith.addi %mul3A_164, %iota3A : vector<16xi32>
    %add3A_166 = vector.broadcast %mul3A_34 : i32 to vector<16xi32>
    %add3A_167 = arith.addi %add3A_165, %add3A_166 : vector<16xi32>
    %eq3A_168 = vector.broadcast %reduce_max3A_161 : f32 to vector<16xf32>
    %eq3A_169 = arith.cmpf oeq, %scan3A_121#2, %eq3A_168 : vector<16xf32>
    %jit3A_170 = arith.constant 1073741824 : i32
    %broadcast_in_dim3A_171 = vector.broadcast %jit3A_170 : i32 to vector<16xi32>
    %select_n3A_172 = arith.select %eq3A_169, %add3A_167, %broadcast_in_dim3A_171 : vector<16xi1>, vector<16xi32>
    %reduce_min3A_173 = arith.constant true
    %reduce_min3A_174 = vector.broadcast %reduce_min3A_173 : i1 to vector<16xi1>
    %reduce_min3A_175 = arith.constant -2147483648 : i32
    %reduce_min3A_176 = vector.broadcast %reduce_min3A_175 : i32 to vector<16xi32>
    %reduce_min3A_177 = arith.xori %select_n3A_172, %reduce_min3A_176 : vector<16xi32>
    %reduce_min3A_178 = tpu.scan <min>, %reduce_min3A_177 masked %reduce_min3A_174 : vector<16xi32>, vector<16xi1> -> vector<16xi32>
    %reduce_min3A_179 = arith.xori %reduce_min3A_178, %reduce_min3A_176 : vector<16xi32>
    %reduce_min3A_180 = vector.extract %reduce_min3A_179[15] : i32 from vector<16xi32>
    %eq3A_181 = arith.constant 1 : i32
    %eq3A_182 = vector.broadcast %eq3A_181 : i32 to vector<16xi32>
    %eq3A_183 = arith.cmpi eq, %iota3A, %eq3A_182 : vector<16xi32>
    %broadcast_in_dim3A_184 = vector.broadcast %reduce_max3A_161 : f32 to vector<16xf32>
    %select_n3A_185 = arith.select %eq3A_183, %broadcast_in_dim3A_184, %select_n3A_152 : vector<16xi1>, vector<16xf32>
    %eq3A_186 = arith.constant 1 : i32
    %eq3A_187 = vector.broadcast %eq3A_186 : i32 to vector<16xi32>
    %eq3A_188 = arith.cmpi eq, %iota3A, %eq3A_187 : vector<16xi32>
    %broadcast_in_dim3A_189 = vector.broadcast %reduce_min3A_180 : i32 to vector<16xi32>
    %select_n3A_190 = arith.select %eq3A_188, %broadcast_in_dim3A_189, %select_n3A_157 : vector<16xi1>, vector<16xi32>
    %reduce_max3A_191 = arith.constant true
    %reduce_max3A_192 = vector.broadcast %reduce_max3A_191 : i1 to vector<16xi1>
    %reduce_max3A_193 = tpu.scan <max>, %scan3A_121#4 masked %reduce_max3A_192 : vector<16xf32>, vector<16xi1> -> vector<16xf32>
    %reduce_max3A_194 = vector.extract %reduce_max3A_193[15] : f32 from vector<16xf32>
    %mul3A_195 = arith.constant 16 : i32
    %mul3A_196 = vector.broadcast %mul3A_195 : i32 to vector<16xi32>
    %mul3A_197 = arith.muli %scan3A_121#5, %mul3A_196 : vector<16xi32>
    %add3A_198 = arith.addi %mul3A_197, %iota3A : vector<16xi32>
    %add3A_199 = vector.broadcast %mul3A_34 : i32 to vector<16xi32>
    %add3A_200 = arith.addi %add3A_198, %add3A_199 : vector<16xi32>
    %eq3A_201 = vector.broadcast %reduce_max3A_194 : f32 to vector<16xf32>
    %eq3A_202 = arith.cmpf oeq, %scan3A_121#4, %eq3A_201 : vector<16xf32>
    %jit3A_203 = arith.constant 1073741824 : i32
    %broadcast_in_dim3A_204 = vector.broadcast %jit3A_203 : i32 to vector<16xi32>
    %select_n3A_205 = arith.select %eq3A_202, %add3A_200, %broadcast_in_dim3A_204 : vector<16xi1>, vector<16xi32>
    %reduce_min3A_206 = arith.constant true
    %reduce_min3A_207 = vector.broadcast %reduce_min3A_206 : i1 to vector<16xi1>
    %reduce_min3A_208 = arith.constant -2147483648 : i32
    %reduce_min3A_209 = vector.broadcast %reduce_min3A_208 : i32 to vector<16xi32>
    %reduce_min3A_210 = arith.xori %select_n3A_205, %reduce_min3A_209 : vector<16xi32>
    %reduce_min3A_211 = tpu.scan <min>, %reduce_min3A_210 masked %reduce_min3A_207 : vector<16xi32>, vector<16xi1> -> vector<16xi32>
    %reduce_min3A_212 = arith.xori %reduce_min3A_211, %reduce_min3A_209 : vector<16xi32>
    %reduce_min3A_213 = vector.extract %reduce_min3A_212[15] : i32 from vector<16xi32>
    %eq3A_214 = arith.constant 2 : i32
    %eq3A_215 = vector.broadcast %eq3A_214 : i32 to vector<16xi32>
    %eq3A_216 = arith.cmpi eq, %iota3A, %eq3A_215 : vector<16xi32>
    %broadcast_in_dim3A_217 = vector.broadcast %reduce_max3A_194 : f32 to vector<16xf32>
    %select_n3A_218 = arith.select %eq3A_216, %broadcast_in_dim3A_217, %select_n3A_185 : vector<16xi1>, vector<16xf32>
    %eq3A_219 = arith.constant 2 : i32
    %eq3A_220 = vector.broadcast %eq3A_219 : i32 to vector<16xi32>
    %eq3A_221 = arith.cmpi eq, %iota3A, %eq3A_220 : vector<16xi32>
    %broadcast_in_dim3A_222 = vector.broadcast %reduce_min3A_213 : i32 to vector<16xi32>
    %select_n3A_223 = arith.select %eq3A_221, %broadcast_in_dim3A_222, %select_n3A_190 : vector<16xi1>, vector<16xi32>
    %reduce_max3A_224 = arith.constant true
    %reduce_max3A_225 = vector.broadcast %reduce_max3A_224 : i1 to vector<16xi1>
    %reduce_max3A_226 = tpu.scan <max>, %scan3A_121#6 masked %reduce_max3A_225 : vector<16xf32>, vector<16xi1> -> vector<16xf32>
    %reduce_max3A_227 = vector.extract %reduce_max3A_226[15] : f32 from vector<16xf32>
    %mul3A_228 = arith.constant 16 : i32
    %mul3A_229 = vector.broadcast %mul3A_228 : i32 to vector<16xi32>
    %mul3A_230 = arith.muli %scan3A_121#7, %mul3A_229 : vector<16xi32>
    %add3A_231 = arith.addi %mul3A_230, %iota3A : vector<16xi32>
    %add3A_232 = vector.broadcast %mul3A_34 : i32 to vector<16xi32>
    %add3A_233 = arith.addi %add3A_231, %add3A_232 : vector<16xi32>
    %eq3A_234 = vector.broadcast %reduce_max3A_227 : f32 to vector<16xf32>
    %eq3A_235 = arith.cmpf oeq, %scan3A_121#6, %eq3A_234 : vector<16xf32>
    %jit3A_236 = arith.constant 1073741824 : i32
    %broadcast_in_dim3A_237 = vector.broadcast %jit3A_236 : i32 to vector<16xi32>
    %select_n3A_238 = arith.select %eq3A_235, %add3A_233, %broadcast_in_dim3A_237 : vector<16xi1>, vector<16xi32>
    %reduce_min3A_239 = arith.constant true
    %reduce_min3A_240 = vector.broadcast %reduce_min3A_239 : i1 to vector<16xi1>
    %reduce_min3A_241 = arith.constant -2147483648 : i32
    %reduce_min3A_242 = vector.broadcast %reduce_min3A_241 : i32 to vector<16xi32>
    %reduce_min3A_243 = arith.xori %select_n3A_238, %reduce_min3A_242 : vector<16xi32>
    %reduce_min3A_244 = tpu.scan <min>, %reduce_min3A_243 masked %reduce_min3A_240 : vector<16xi32>, vector<16xi1> -> vector<16xi32>
    %reduce_min3A_245 = arith.xori %reduce_min3A_244, %reduce_min3A_242 : vector<16xi32>
    %reduce_min3A_246 = vector.extract %reduce_min3A_245[15] : i32 from vector<16xi32>
    %eq3A_247 = arith.constant 3 : i32
    %eq3A_248 = vector.broadcast %eq3A_247 : i32 to vector<16xi32>
    %eq3A_249 = arith.cmpi eq, %iota3A, %eq3A_248 : vector<16xi32>
    %broadcast_in_dim3A_250 = vector.broadcast %reduce_max3A_227 : f32 to vector<16xf32>
    %select_n3A_251 = arith.select %eq3A_249, %broadcast_in_dim3A_250, %select_n3A_218 : vector<16xi1>, vector<16xf32>
    %eq3A_252 = arith.constant 3 : i32
    %eq3A_253 = vector.broadcast %eq3A_252 : i32 to vector<16xi32>
    %eq3A_254 = arith.cmpi eq, %iota3A, %eq3A_253 : vector<16xi32>
    %broadcast_in_dim3A_255 = vector.broadcast %reduce_min3A_246 : i32 to vector<16xi32>
    %select_n3A_256 = arith.select %eq3A_254, %broadcast_in_dim3A_255, %select_n3A_223 : vector<16xi1>, vector<16xi32>
    %reduce_max3A_257 = arith.constant true
    %reduce_max3A_258 = vector.broadcast %reduce_max3A_257 : i1 to vector<16xi1>
    %reduce_max3A_259 = tpu.scan <max>, %scan3A_121#8 masked %reduce_max3A_258 : vector<16xf32>, vector<16xi1> -> vector<16xf32>
    %reduce_max3A_260 = vector.extract %reduce_max3A_259[15] : f32 from vector<16xf32>
    %mul3A_261 = arith.constant 16 : i32
    %mul3A_262 = vector.broadcast %mul3A_261 : i32 to vector<16xi32>
    %mul3A_263 = arith.muli %scan3A_121#9, %mul3A_262 : vector<16xi32>
    %add3A_264 = arith.addi %mul3A_263, %iota3A : vector<16xi32>
    %add3A_265 = vector.broadcast %mul3A_34 : i32 to vector<16xi32>
    %add3A_266 = arith.addi %add3A_264, %add3A_265 : vector<16xi32>
    %eq3A_267 = vector.broadcast %reduce_max3A_260 : f32 to vector<16xf32>
    %eq3A_268 = arith.cmpf oeq, %scan3A_121#8, %eq3A_267 : vector<16xf32>
    %jit3A_269 = arith.constant 1073741824 : i32
    %broadcast_in_dim3A_270 = vector.broadcast %jit3A_269 : i32 to vector<16xi32>
    %select_n3A_271 = arith.select %eq3A_268, %add3A_266, %broadcast_in_dim3A_270 : vector<16xi1>, vector<16xi32>
    %reduce_min3A_272 = arith.constant true
    %reduce_min3A_273 = vector.broadcast %reduce_min3A_272 : i1 to vector<16xi1>
    %reduce_min3A_274 = arith.constant -2147483648 : i32
    %reduce_min3A_275 = vector.broadcast %reduce_min3A_274 : i32 to vector<16xi32>
    %reduce_min3A_276 = arith.xori %select_n3A_271, %reduce_min3A_275 : vector<16xi32>
    %reduce_min3A_277 = tpu.scan <min>, %reduce_min3A_276 masked %reduce_min3A_273 : vector<16xi32>, vector<16xi1> -> vector<16xi32>
    %reduce_min3A_278 = arith.xori %reduce_min3A_277, %reduce_min3A_275 : vector<16xi32>
    %reduce_min3A_279 = vector.extract %reduce_min3A_278[15] : i32 from vector<16xi32>
    %eq3A_280 = arith.constant 4 : i32
    %eq3A_281 = vector.broadcast %eq3A_280 : i32 to vector<16xi32>
    %eq3A_282 = arith.cmpi eq, %iota3A, %eq3A_281 : vector<16xi32>
    %broadcast_in_dim3A_283 = vector.broadcast %reduce_max3A_260 : f32 to vector<16xf32>
    %select_n3A_284 = arith.select %eq3A_282, %broadcast_in_dim3A_283, %select_n3A_251 : vector<16xi1>, vector<16xf32>
    %eq3A_285 = arith.constant 4 : i32
    %eq3A_286 = vector.broadcast %eq3A_285 : i32 to vector<16xi32>
    %eq3A_287 = arith.cmpi eq, %iota3A, %eq3A_286 : vector<16xi32>
    %broadcast_in_dim3A_288 = vector.broadcast %reduce_min3A_279 : i32 to vector<16xi32>
    %select_n3A_289 = arith.select %eq3A_287, %broadcast_in_dim3A_288, %select_n3A_256 : vector<16xi1>, vector<16xi32>
    %reduce_max3A_290 = arith.constant true
    %reduce_max3A_291 = vector.broadcast %reduce_max3A_290 : i1 to vector<16xi1>
    %reduce_max3A_292 = tpu.scan <max>, %scan3A_121#10 masked %reduce_max3A_291 : vector<16xf32>, vector<16xi1> -> vector<16xf32>
    %reduce_max3A_293 = vector.extract %reduce_max3A_292[15] : f32 from vector<16xf32>
    %mul3A_294 = arith.constant 16 : i32
    %mul3A_295 = vector.broadcast %mul3A_294 : i32 to vector<16xi32>
    %mul3A_296 = arith.muli %scan3A_121#11, %mul3A_295 : vector<16xi32>
    %add3A_297 = arith.addi %mul3A_296, %iota3A : vector<16xi32>
    %add3A_298 = vector.broadcast %mul3A_34 : i32 to vector<16xi32>
    %add3A_299 = arith.addi %add3A_297, %add3A_298 : vector<16xi32>
    %eq3A_300 = vector.broadcast %reduce_max3A_293 : f32 to vector<16xf32>
    %eq3A_301 = arith.cmpf oeq, %scan3A_121#10, %eq3A_300 : vector<16xf32>
    %jit3A_302 = arith.constant 1073741824 : i32
    %broadcast_in_dim3A_303 = vector.broadcast %jit3A_302 : i32 to vector<16xi32>
    %select_n3A_304 = arith.select %eq3A_301, %add3A_299, %broadcast_in_dim3A_303 : vector<16xi1>, vector<16xi32>
    %reduce_min3A_305 = arith.constant true
    %reduce_min3A_306 = vector.broadcast %reduce_min3A_305 : i1 to vector<16xi1>
    %reduce_min3A_307 = arith.constant -2147483648 : i32
    %reduce_min3A_308 = vector.broadcast %reduce_min3A_307 : i32 to vector<16xi32>
    %reduce_min3A_309 = arith.xori %select_n3A_304, %reduce_min3A_308 : vector<16xi32>
    %reduce_min3A_310 = tpu.scan <min>, %reduce_min3A_309 masked %reduce_min3A_306 : vector<16xi32>, vector<16xi1> -> vector<16xi32>
    %reduce_min3A_311 = arith.xori %reduce_min3A_310, %reduce_min3A_308 : vector<16xi32>
    %reduce_min3A_312 = vector.extract %reduce_min3A_311[15] : i32 from vector<16xi32>
    %eq3A_313 = arith.constant 5 : i32
    %eq3A_314 = vector.broadcast %eq3A_313 : i32 to vector<16xi32>
    %eq3A_315 = arith.cmpi eq, %iota3A, %eq3A_314 : vector<16xi32>
    %broadcast_in_dim3A_316 = vector.broadcast %reduce_max3A_293 : f32 to vector<16xf32>
    %select_n3A_317 = arith.select %eq3A_315, %broadcast_in_dim3A_316, %select_n3A_284 : vector<16xi1>, vector<16xf32>
    %eq3A_318 = arith.constant 5 : i32
    %eq3A_319 = vector.broadcast %eq3A_318 : i32 to vector<16xi32>
    %eq3A_320 = arith.cmpi eq, %iota3A, %eq3A_319 : vector<16xi32>
    %broadcast_in_dim3A_321 = vector.broadcast %reduce_min3A_312 : i32 to vector<16xi32>
    %select_n3A_322 = arith.select %eq3A_320, %broadcast_in_dim3A_321, %select_n3A_289 : vector<16xi1>, vector<16xi32>
    %reduce_max3A_323 = arith.constant true
    %reduce_max3A_324 = vector.broadcast %reduce_max3A_323 : i1 to vector<16xi1>
    %reduce_max3A_325 = tpu.scan <max>, %scan3A_121#12 masked %reduce_max3A_324 : vector<16xf32>, vector<16xi1> -> vector<16xf32>
    %reduce_max3A_326 = vector.extract %reduce_max3A_325[15] : f32 from vector<16xf32>
    %mul3A_327 = arith.constant 16 : i32
    %mul3A_328 = vector.broadcast %mul3A_327 : i32 to vector<16xi32>
    %mul3A_329 = arith.muli %scan3A_121#13, %mul3A_328 : vector<16xi32>
    %add3A_330 = arith.addi %mul3A_329, %iota3A : vector<16xi32>
    %add3A_331 = vector.broadcast %mul3A_34 : i32 to vector<16xi32>
    %add3A_332 = arith.addi %add3A_330, %add3A_331 : vector<16xi32>
    %eq3A_333 = vector.broadcast %reduce_max3A_326 : f32 to vector<16xf32>
    %eq3A_334 = arith.cmpf oeq, %scan3A_121#12, %eq3A_333 : vector<16xf32>
    %jit3A_335 = arith.constant 1073741824 : i32
    %broadcast_in_dim3A_336 = vector.broadcast %jit3A_335 : i32 to vector<16xi32>
    %select_n3A_337 = arith.select %eq3A_334, %add3A_332, %broadcast_in_dim3A_336 : vector<16xi1>, vector<16xi32>
    %reduce_min3A_338 = arith.constant true
    %reduce_min3A_339 = vector.broadcast %reduce_min3A_338 : i1 to vector<16xi1>
    %reduce_min3A_340 = arith.constant -2147483648 : i32
    %reduce_min3A_341 = vector.broadcast %reduce_min3A_340 : i32 to vector<16xi32>
    %reduce_min3A_342 = arith.xori %select_n3A_337, %reduce_min3A_341 : vector<16xi32>
    %reduce_min3A_343 = tpu.scan <min>, %reduce_min3A_342 masked %reduce_min3A_339 : vector<16xi32>, vector<16xi1> -> vector<16xi32>
    %reduce_min3A_344 = arith.xori %reduce_min3A_343, %reduce_min3A_341 : vector<16xi32>
    %reduce_min3A_345 = vector.extract %reduce_min3A_344[15] : i32 from vector<16xi32>
    %eq3A_346 = arith.constant 6 : i32
    %eq3A_347 = vector.broadcast %eq3A_346 : i32 to vector<16xi32>
    %eq3A_348 = arith.cmpi eq, %iota3A, %eq3A_347 : vector<16xi32>
    %broadcast_in_dim3A_349 = vector.broadcast %reduce_max3A_326 : f32 to vector<16xf32>
    %select_n3A_350 = arith.select %eq3A_348, %broadcast_in_dim3A_349, %select_n3A_317 : vector<16xi1>, vector<16xf32>
    %eq3A_351 = arith.constant 6 : i32
    %eq3A_352 = vector.broadcast %eq3A_351 : i32 to vector<16xi32>
    %eq3A_353 = arith.cmpi eq, %iota3A, %eq3A_352 : vector<16xi32>
    %broadcast_in_dim3A_354 = vector.broadcast %reduce_min3A_345 : i32 to vector<16xi32>
    %select_n3A_355 = arith.select %eq3A_353, %broadcast_in_dim3A_354, %select_n3A_322 : vector<16xi1>, vector<16xi32>
    %reduce_max3A_356 = arith.constant true
    %reduce_max3A_357 = vector.broadcast %reduce_max3A_356 : i1 to vector<16xi1>
    %reduce_max3A_358 = tpu.scan <max>, %scan3A_121#14 masked %reduce_max3A_357 : vector<16xf32>, vector<16xi1> -> vector<16xf32>
    %reduce_max3A_359 = vector.extract %reduce_max3A_358[15] : f32 from vector<16xf32>
    %mul3A_360 = arith.constant 16 : i32
    %mul3A_361 = vector.broadcast %mul3A_360 : i32 to vector<16xi32>
    %mul3A_362 = arith.muli %scan3A_121#15, %mul3A_361 : vector<16xi32>
    %add3A_363 = arith.addi %mul3A_362, %iota3A : vector<16xi32>
    %add3A_364 = vector.broadcast %mul3A_34 : i32 to vector<16xi32>
    %add3A_365 = arith.addi %add3A_363, %add3A_364 : vector<16xi32>
    %eq3A_366 = vector.broadcast %reduce_max3A_359 : f32 to vector<16xf32>
    %eq3A_367 = arith.cmpf oeq, %scan3A_121#14, %eq3A_366 : vector<16xf32>
    %jit3A_368 = arith.constant 1073741824 : i32
    %broadcast_in_dim3A_369 = vector.broadcast %jit3A_368 : i32 to vector<16xi32>
    %select_n3A_370 = arith.select %eq3A_367, %add3A_365, %broadcast_in_dim3A_369 : vector<16xi1>, vector<16xi32>
    %reduce_min3A_371 = arith.constant true
    %reduce_min3A_372 = vector.broadcast %reduce_min3A_371 : i1 to vector<16xi1>
    %reduce_min3A_373 = arith.constant -2147483648 : i32
    %reduce_min3A_374 = vector.broadcast %reduce_min3A_373 : i32 to vector<16xi32>
    %reduce_min3A_375 = arith.xori %select_n3A_370, %reduce_min3A_374 : vector<16xi32>
    %reduce_min3A_376 = tpu.scan <min>, %reduce_min3A_375 masked %reduce_min3A_372 : vector<16xi32>, vector<16xi1> -> vector<16xi32>
    %reduce_min3A_377 = arith.xori %reduce_min3A_376, %reduce_min3A_374 : vector<16xi32>
    %reduce_min3A_378 = vector.extract %reduce_min3A_377[15] : i32 from vector<16xi32>
    %eq3A_379 = arith.constant 7 : i32
    %eq3A_380 = vector.broadcast %eq3A_379 : i32 to vector<16xi32>
    %eq3A_381 = arith.cmpi eq, %iota3A, %eq3A_380 : vector<16xi32>
    %broadcast_in_dim3A_382 = vector.broadcast %reduce_max3A_359 : f32 to vector<16xf32>
    %select_n3A_383 = arith.select %eq3A_381, %broadcast_in_dim3A_382, %select_n3A_350 : vector<16xi1>, vector<16xf32>
    %eq3A_384 = arith.constant 7 : i32
    %eq3A_385 = vector.broadcast %eq3A_384 : i32 to vector<16xi32>
    %eq3A_386 = arith.cmpi eq, %iota3A, %eq3A_385 : vector<16xi32>
    %broadcast_in_dim3A_387 = vector.broadcast %reduce_min3A_378 : i32 to vector<16xi32>
    %select_n3A_388 = arith.select %eq3A_386, %broadcast_in_dim3A_387, %select_n3A_355 : vector<16xi1>, vector<16xi32>
    %swap3A = arith.constant 0 : index
    %swap3A_389 = tpu.vector_load %arg6[%swap3A] {strides = array<i32>} : memref<16xf32, #tpu.memory_space<vmem>>, vector<16xf32>,
    tpu.vector_store %arg6[%swap3A], %select_n3A_383 {strides = array<i32>} : memref<16xf32, #tpu.memory_space<vmem>>, vector<16xf32>,
    %swap3A_390 = arith.constant 0 : index
    %swap3A_391 = tpu.vector_load %arg7[%swap3A_390] {strides = array<i32>} : memref<16xi32, #tpu.memory_space<vmem>>, vector<16xi32>,
    tpu.vector_store %arg7[%swap3A_390], %select_n3A_388 {strides = array<i32>} : memref<16xi32, #tpu.memory_space<vmem>>, vector<16xi32>,
    %mul3A_392 = arith.constant 16 : i32
    %mul3A_393 = arith.muli %add3A, %mul3A_392 : i32
    "tpu.region"() ({
      %run_scoped3A = tpu.sem_alloc : memref<!tpu.dma_semaphore, #tpu.memory_space<semaphore_mem>>
      %dma_start3A_396 = tpu.memref_slice %arg3[%mul3A_393] : memref<512xf32, #tpu.memory_space<hbm>> -> memref<16xf32, #tpu.memory_space<hbm>>
      %dma_start3A_397 = tpu.memref_slice %arg3[%mul3A_393] : memref<512xf32, #tpu.memory_space<hbm>> -> memref<16xf32, #tpu.memory_space<hbm>>
      tpu.enqueue_dma source(%arg6 : memref<16xf32, #tpu.memory_space<vmem>>) target(%dma_start3A_397 : memref<16xf32, #tpu.memory_space<hbm>>) target_semaphore(%run_scoped3A : memref<!tpu.dma_semaphore, #tpu.memory_space<semaphore_mem>>)
      %dma_wait3A_398 = tpu.memref_slice %arg3[%mul3A_393] : memref<512xf32, #tpu.memory_space<hbm>> -> memref<16xf32, #tpu.memory_space<hbm>>
      %dma_wait3A_399 = tpu.memref_slice %arg3[%mul3A_393] : memref<512xf32, #tpu.memory_space<hbm>> -> memref<16xf32, #tpu.memory_space<hbm>>
      tpu.wait_dma2 semaphore(%run_scoped3A : memref<!tpu.dma_semaphore, #tpu.memory_space<semaphore_mem>>) src(%arg6 : memref<16xf32, #tpu.memory_space<vmem>>) dst(%dma_wait3A_399 : memref<16xf32, #tpu.memory_space<hbm>>)
      tpu.yield
    }) : () -> ()
    %mul3A_394 = arith.constant 16 : i32
    %mul3A_395 = arith.muli %add3A, %mul3A_394 : i32
    "tpu.region"() ({
      %run_scoped3A = tpu.sem_alloc : memref<!tpu.dma_semaphore, #tpu.memory_space<semaphore_mem>>
      %dma_start3A_396 = tpu.memref_slice %arg4[%mul3A_395] : memref<512xi32, #tpu.memory_space<hbm>> -> memref<16xi32, #tpu.memory_space<hbm>>
      %dma_start3A_397 = tpu.memref_slice %arg4[%mul3A_395] : memref<512xi32, #tpu.memory_space<hbm>> -> memref<16xi32, #tpu.memory_space<hbm>>
      tpu.enqueue_dma source(%arg7 : memref<16xi32, #tpu.memory_space<vmem>>) target(%dma_start3A_397 : memref<16xi32, #tpu.memory_space<hbm>>) target_semaphore(%run_scoped3A : memref<!tpu.dma_semaphore, #tpu.memory_space<semaphore_mem>>)
      %dma_wait3A_398 = tpu.memref_slice %arg4[%mul3A_395] : memref<512xi32, #tpu.memory_space<hbm>> -> memref<16xi32, #tpu.memory_space<hbm>>
      %dma_wait3A_399 = tpu.memref_slice %arg4[%mul3A_395] : memref<512xi32, #tpu.memory_space<hbm>> -> memref<16xi32, #tpu.memory_space<hbm>>
      tpu.wait_dma2 semaphore(%run_scoped3A : memref<!tpu.dma_semaphore, #tpu.memory_space<semaphore_mem>>) src(%arg7 : memref<16xi32, #tpu.memory_space<vmem>>) dst(%dma_wait3A_399 : memref<16xi32, #tpu.memory_space<hbm>>)
      tpu.yield
    }) : () -> ()
    return
  }
}

module attributes {stable_mosaic.version = 14 : i64} {
  func.func @_argmax_body(%arg0: i32, %arg1: memref<32x32768xf32, #tpu.memory_space<vmem>>, %arg2: memref<32x1xi32, #tpu.memory_space<vmem>>) attributes {dimension_semantics = [#tpu.dimension_semantics<arbitrary>], iteration_bounds = array<i64: 3>, scalar_prefetch = 0 : i64, scratch_operands = 0 : i64, tpu.core_type = #tpu.core_type<tc>, window_params = [{transform_indices = @transform_0, window_bounds = array<i64: 32, 32768>}, {transform_indices = @transform_1, window_bounds = array<i64: 32, 1>}]} {
    %get3A = arith.constant 0 : index
    %get3A_0 = arith.constant 0 : index
    %get3A_1 = vector.load %arg1[%get3A, %get3A_0] : memref<32x32768xf32, #tpu.memory_space<vmem>>, vector<32x32768xf32>
    %reduce_max3A = arith.constant dense<0xFF800000> : vector<32xf32>
    %reduce_max3A_2 = vector.multi_reduction <maximumf>, %get3A_1, %reduce_max3A [1] : vector<32x32768xf32> to vector<32xf32>
    %broadcast_in_dim3A = vector.shape_cast %reduce_max3A_2 : vector<32xf32> to vector<32x1xf32>
    %iota3A = tpu.iota {dimensions = array<i32: 1>} : vector<32x32768xi32>
    %eq3A = vector.broadcast %broadcast_in_dim3A : vector<32x1xf32> to vector<32x32768xf32>
    %eq3A_3 = arith.cmpf oeq, %get3A_1, %eq3A : vector<32x32768xf32>
    %jit3A = arith.constant 32768 : i32
    %broadcast_in_dim3A_4 = vector.broadcast %jit3A : i32 to vector<32x32768xi32>
    %select_n3A = arith.select %eq3A_3, %iota3A, %broadcast_in_dim3A_4 : vector<32x32768xi1>, vector<32x32768xi32>
    %reduce_min3A = arith.constant dense<2147483647> : vector<32xi32>
    %reduce_min3A_5 = vector.multi_reduction <minsi>, %select_n3A, %reduce_min3A [1] : vector<32x32768xi32> to vector<32xi32>
    %broadcast_in_dim3A_6 = vector.shape_cast %reduce_min3A_5 : vector<32xi32> to vector<32x1xi32>
    %swap3A = arith.constant 0 : index
    %swap3A_7 = arith.constant 0 : index
    %swap3A_8 = vector.load %arg2[%swap3A, %swap3A_7] : memref<32x1xi32, #tpu.memory_space<vmem>>, vector<32x1xi32>
    tpu.vector_store %arg2[%swap3A, %swap3A_7], %broadcast_in_dim3A_6 {strides = array<i32>} : memref<32x1xi32, #tpu.memory_space<vmem>>, vector<32x1xi32>,
    return
  }
  func.func @transform_0(%arg0: i32) -> (i32, i32) {
    %add3A = arith.constant 1 : i32
    %add3A_0 = arith.addi %arg0, %add3A : i32
    %c0_i32 = arith.constant 0 : i32
    %c0_i32_1 = arith.constant 0 : i32
    return %add3A_0, %c0_i32 : i32, i32
  }
  func.func @transform_1(%arg0: i32) -> (i32, i32) {
    %c0_i32 = arith.constant 0 : i32
    %c0_i32_0 = arith.constant 0 : i32
    return %arg0, %c0_i32 : i32, i32
  }
}

</mosaic_0001>

<sc_bundles>
// kernel: kernel.4.cloned.1.call-start
scs
__scs_entry_jumppad:
0x0: {  	(pc) =	sbr.rel $0x88, $3  }
0x1: {  	(tag) =	ssettag $0x0;
	lr =	simm.s32 $0x1  }
0x2: {  	[smem:$0x3FA0] =	sst lr;
	_ =	strace $0xD0000000  }
0x3: {  	_ = 	snop  }
0x4: {  	_ = 	snop  }
0x5: {  	_ = 	snop  }
0x6: {  	_ = 	snop  }
0x7: {  	_ = 	snop  }
__scs_overlays_trampoline_lowered:
0x8: {  	[smem:$0x3FAF] =	sst s0  }
0x9: {  	[smem:$0x3FB0] =	sst s1  }
0xa: {  	[smem:$0x3FB1] =	sst s2  }
0xb: {  	[smem:$0x3FB2] =	sst s3  }
0xc: {  	[smem:$0x3FB3] =	sst s4  }
0xd: {  	[smem:$0x3FB4] =	sst s5  }
0xe: {  	[smem:$0x3FB5] =	sst s6  }
0xf: {  	[smem:$0x3FB6] =	sst s7  }
0x10: {  	[smem:$0x3FB7] =	sst s8  }
0x11: {  	[smem:$0x3FB8] =	sst s9;
	s0 =	simm.s32 @!p0 $0x0  }
0x12: {  	s1 =	sld [smem:$0x3F9E];
	s0 =	simm.s32 @p0 $0x1  }
0x13: {  	[smem:$0x3FB9] =	sst s0;
	s0 =	simm.s32 @!p1 $0x0  }
0x14: {  	s2 =	sld [smem:$0x3F9D];
	s0 =	simm.s32 @p1 $0x1  }
0x15: {  	[smem:$0x3FBA] =	sst s0;
	s0 =	simm.s32 @!p2 $0x0  }
0x16: {  	s3 =	sld [smem:$0x3FDB];
	s0 =	simm.s32 @p2 $0x1  }
0x17: {  	s4 =	simm.s32 $0x1BF5;
	[smem:$0x3FBC] =	sst s0  }
0x18: {  	s0 =	sld [smem:$0x3F9F];
	_ =	swait.ge [sflag:s4], $0x0  }
0x19: {  	s7 =	sld [smem:$0x3FA0]  }
0x1a: {  	s8 =	sadd.s32 $0xFFFFE003, lr  }
0x1b: {  	s9 =	sadd.s32 $0xFFFFFEF7, lr;
	s5 =	simm.s32 $0xFFFFFFFF;
	p2 =	slt.u32 s8, $0xFFFFF086  }
0x1c: {  	p1 =	slt.u32 s9, $0xF7A;
	s5 =	simm.s32 @!p2 $0x0  }
0x1d: {  	s5 =	simm.s32 @p1 $0x1;
	p0 =	seq.s32 s7, s2  }
0x1e: {  	s7 =	smul.u32 @!p0 $0xF7A, s2;
	p2 =	seq.s32 @!p0 s5, $0x0  }
0x1f: {  	s9 =	smul.u32 $0xF7A, s1;
	s8 =	simm.s32 @!p0 $0x1BF5;
	p2 =	por !p2, p0  }
0x20: {  	[sflag:s8] =	ssyncset.s32 @!p0 $0xFFFFF086;
	s6 =	sadd.s32 @!p0 s3, s7;
	s7 =	simm.s32 @!p0 $0x108  }
0x21: {  	s3 =	sadd.s32 s3, s9;
	s6 =	sadd.s32 @!p0 $0x88, s6;
	s7 =	simm.s32 @p2 $0x1082  }
0x22: {  	[simem:s7], [sflag:s8] =	dma.local @!p0 [hbm:s6], $0xF7A  }
0x23: {  	s9 =	sor.u32 $0xD0000000, s2;
	s6 =	simm.s32 $0x108;
	_ =	swait.ge @!p0 [sflag:s8], $0x0  }
0x24: {  	s3 =	sadd.s32 $0x88, s3;
	s6 =	simm.s32 @!p1 $0x1082;
	[sflag:s4] =	ssyncset.s32 $0xFFFFF086  }
0x25: {  	[simem:s6], [sflag:s4] =	dma.local [hbm:s3], $0xF7A  }
0x26: {  	[smem:$0x3FA0] =	sst s1;
	(tag) =	ssettag s2;
	_ =	strace s9  }
0x27: {  	s1 =	sld [smem:$0x3FB0]  }
0x28: {  	s2 =	sld [smem:$0x3FB1]  }
0x29: {  	s4 =	sld [smem:$0x3FB3]  }
0x2a: {  	p0 =	seq.s32 s5, $0x0;
	s5 =	sld [smem:$0x3FB4]  }
0x2b: {  	s6 =	sld [smem:$0x3FB5]  }
0x2c: {  	s7 =	sld [smem:$0x3FB6]  }
0x2d: {  	s3 =	simm.s32 $0x108;
	s8 =	sld [smem:$0x3FB7]  }
0x2e: {  	s3 =	simm.s32 @!p0 $0x1082;
	s9 =	sld [smem:$0x3FB8]  }
0x2f: {  	lr =	sadd.s32 s0, s3;
	s0 =	sld [smem:$0x3FAF]  }
0x30: {  	s3 =	sld [smem:$0x3FB2]  }
0x31: {  	[smem:$0x3FBB] =	sst s10  }
0x32: {  	s10 =	sld [smem:$0x3FB9];
	_ =	sdelay $0x3  }
0x33: {  	p0 =	seq.s32 s10, $0x1;
	s10 =	sld [smem:$0x3FBB];
	_ =	sdelay $0x3  }
0x34: {  	[smem:$0x3FBB] =	sst s10  }
0x35: {  	s10 =	sld [smem:$0x3FBA];
	_ =	sdelay $0x3  }
0x36: {  	p1 =	seq.s32 s10, $0x1;
	s10 =	sld [smem:$0x3FBB];
	_ =	sdelay $0x3  }
0x37: {  	[smem:$0x3FBB] =	sst s10  }
0x38: {  	s10 =	sld [smem:$0x3FBC]  }
0x39: {  	_ = 	snop;
	(pc) =	sbr.ind lr, $3  }
0x3a: {  	_ = 	snop  }
0x3b: {  	_ = 	snop  }
0x3c: {  	p2 =	seq.s32 s10, $0x1;
	s10 =	sld [smem:$0x3FBB]  }
0x3d: {  	_ =	shalt  }
0x3e: {  	_ =	shalt  }
0x3f: {  	_ =	shalt  }
0x40: {  	_ =	shalt  }
0x41: {  	_ =	shalt  }
0x42: {  	_ =	shalt  }
0x43: {  	_ =	shalt  }
0x44: {  	_ =	shalt  }
0x45: {  	_ =	shalt  }
0x46: {  	_ =	shalt  }
0x47: {  	_ =	shalt  }
0x48: {  	_ =	shalt  }
0x49: {  	_ =	shalt  }
0x4a: {  	_ =	shalt  }
0x4b: {  	_ =	shalt  }
0x4c: {  	_ =	shalt  }
0x4d: {  	_ =	shalt  }
0x4e: {  	_ =	shalt  }
0x4f: {  	_ =	shalt  }
0x50: {  	_ =	shalt  }
0x51: {  	_ =	shalt  }
0x52: {  	_ =	shalt  }
0x53: {  	_ =	shalt  }
0x54: {  	_ =	shalt  }
0x55: {  	_ =	shalt  }
0x56: {  	_ =	shalt  }
0x57: {  	_ =	shalt  }
0x58: {  	_ =	shalt  }
0x59: {  	_ =	shalt  }
0x5a: {  	_ =	shalt  }
0x5b: {  	_ =	shalt  }
0x5c: {  	_ =	shalt  }
0x5d: {  	_ =	shalt  }
0x5e: {  	_ =	shalt  }
0x5f: {  	_ =	shalt  }
0x60: {  	_ =	shalt  }
0x61: {  	_ =	shalt  }
0x62: {  	_ =	shalt  }
0x63: {  	_ =	shalt  }
0x64: {  	_ =	shalt  }
0x65: {  	_ =	shalt  }
0x66: {  	_ =	shalt  }
0x67: {  	_ =	shalt  }
0x68: {  	_ =	shalt  }
0x69: {  	_ =	shalt  }
0x6a: {  	_ =	shalt  }
0x6b: {  	_ =	shalt  }
0x6c: {  	_ =	shalt  }
0x6d: {  	_ =	shalt  }
0x6e: {  	_ =	shalt  }
0x6f: {  	_ =	shalt  }
0x70: {  	_ =	shalt  }
0x71: {  	_ =	shalt  }
0x72: {  	_ =	shalt  }
0x73: {  	_ =	shalt  }
0x74: {  	_ =	shalt  }
0x75: {  	_ =	shalt  }
0x76: {  	_ =	shalt  }
0x77: {  	_ =	shalt  }
0x78: {  	_ =	shalt  }
0x79: {  	_ =	shalt  }
0x7a: {  	_ =	shalt  }
0x7b: {  	_ =	shalt  }
0x7c: {  	_ =	shalt  }
0x7d: {  	_ =	shalt  }
0x7e: {  	_ =	shalt  }
0x7f: {  	_ =	shalt  }
0x80: {  	_ =	shalt  }
0x81: {  	_ =	shalt  }
0x82: {  	_ =	shalt  }
0x83: {  	_ =	shalt  }
0x84: {  	_ =	shalt  }
0x85: {  	_ =	shalt  }
0x86: {  	_ =	shalt  }
0x87: {  	_ =	shalt  }
.Lfunc_end0:
.L_simem_size_0:
called_computation_lowered:
.L_overlay_start_0:
0x88: {  	s2 =	sld [smem:$0x3FD9]  }
0x89: {  	s3 =	sld [smem:$0x3FFE];
	_ =	sdelay $0x1  }
0x8a: {  	s1 =	srdreg.scid  }
0x8b: {  	s0 =	sand.u32 $0x1, s1  }
0x8c: {  	s17 =	sshll.u32 s0, $0xA;
	s2 =	sadd.s32 s3, s2  }
0x8d: {  	s2 =	sadd.s32 s2, s17  }
0x8e: {  	[smem:$0x3FC7] =	sst s2  }
0x8f: {  	_ = 	snop  }
0x90: {  	s2 =	sld [smem:$0x3FC9]  }
0x91: {  	s18 =	sld [smem:$0x3FD0];
	(tm) =	ssettm $0x1  }
0x92: {  	s4 =	sld [smem:$0x3FFB];
	_ =	sdelay $0x3  }
0x93: {  	_ =	strace s4  }
0x94: {  	s4 =	sld [smem:$0x3FFC];
	_ =	sdelay $0x3  }
0x95: {  	_ =	strace s4  }
0x96: {  	s4 =	sld [smem:$0x3FFD];
	_ =	sdelay $0x3  }
0x97: {  	_ =	strace s4  }
0x98: {  	_ =	strace $0x8FFFFFFF  }
0x99: {  	s19 =	sld [smem:$0x3FDB];
	_ =	sdelay $0x1  }
0x9a: {  	s5 =	simm.s32 $_scs_section_size  }
0x9b: {  	s6 =	simm.s32 $_size__tile_overlayer_lowered;
	s7 =	simm.s32 $_tile_overlayer_lowered  }
0x9c: {  	s22 =	simm.s32 $0x1BFF;
	s21 =	sshll.u32 s7, $0x1;
	s4 =	sadd.s32 s5, s19  }
0x9d: {  	s8 =	simm.s32 $0x0;
	s20 =	sshll.u32 s6, $0x1;
	s6 =	sadd.s32 s21, s4  }
0x9e: {  	[timem:s8], [sflag:s22] =	dma.local [hbm:s6], s20  }
0x9f: {  	_ =	swait.ge [sflag:s22], s20  }
0xa0: {  	s5 =	ssub.s32 $0x0, s20;
	[sflag:s22] =	ssyncset.done $0x0  }
0xa1: {  	[sflag:s22] =	ssyncadd.s32 s5;
	_ =	sdelay $0x1  }
0xa2: {  	s23 =	simm.s32 $0x1B8B  }
0xa3: {  	_ =	swait.ge [sflag:s23], $0x1  }
0xa4: {  	[sflag:s23] =	ssyncset.done $0x0  }
0xa5: {  	s25 =	simm.s32 $0x1B8E;
	s24 =	sld [smem:$0x3FFE];
	[sflag:s23] =	ssyncadd.s32 $0xFFFFFFFF  }
0xa6: {  	s26 =	simm.s32 $execute0_lowered;
	[smem:$0x3FD2] =	sst s25  }
0xa7: {  	s6 =	sshll.u32 s26, $0x1;
	_ =	strace $0x80000046;
	[dreg:$0x1] =	wrdreg $0xFFFFFFFF  }
0xa8: {  	s28 =	simm.s32 $_size_execute0_lowered;
	s4 =	sadd.s32 s4, s6;
	[dreg:$0x0] =	wrdreg $0x0  }
0xa9: {  	s6 =	sshll.u32 s28, $0x1;
	[dreg:$0x2] =	wrdreg s4  }
0xaa: {  	[dreg:$0x3] =	wrdreg s6  }
0xab: {  	[dreg:$0x4] =	wrdreg $0xC0  }
0xac: {  	_ =	task [dreg:s8], $0x5FFFF  }
0xad: {  	[dreg:$0x1] =	wrdreg $0xFFFFFFFF  }
0xae: {  	[dreg:$0x0] =	wrdreg $0x60  }
0xaf: {  	[dreg:$0x2] =	wrdreg s2  }
0xb0: {  	[dreg:$0x3] =	wrdreg s18  }
0xb1: {  	[dreg:$0x4] =	wrdreg s24  }
0xb2: {  	[dreg:$0x5] =	wrdreg $0x9  }
0xb3: {  	_ =	task.clear_ibuf [dreg:s8], $0x6FFFF;
	_ =	strace $0x90000046  }
0xb4: {  	s29 =	simm.s32 $0x9;
	_ =	strace $0x80000048  }
0xb5: {  	_ =	swait.ge [sflag:s29], $0x1  }
0xb6: {  	[sflag:s29] =	ssyncadd.s32 $0xFFFFFFFF  }
0xb7: {  	_ =	strace $0x90000048  }
0xb8: {  	_ =	sfence  }
0xb9: {  	s30 =	sld [smem:$0x0];
	_ =	sdelay $0x2  }
0xba: {  	s31 =	sshll.u32 s1, $0xD;
	s1 =	sshrl.u32 s1, $0x2  }
0xbb: {  	s3 =	sand.u32 $0x4000, s31;
	s1 =	sadd.s32 s1, s30  }
0xbc: {  	s0 =	sor.u32 s3, s0;
	s1 =	sshll.u32 s1, $0x11  }
0xbd: {  	s0 =	sor.u32 s1, s0  }
0xbe: {  	s0 =	sadd.s32 $0x8F2B, s0  }
0xbf: {  	[sflag:s0] =	ssyncadd.remote.s32 $0x1  }
0xc0: {  	_ =	sfence.sel $0xFFFF  }
0xc1: {  	[dreg:$0x0] =	wrdreg $0xFFFFFFFF;
	(pc) =	sbr.abs _section_cstart, $3  }
0xc2: {  	[dreg:$0x1] =	wrdreg $0xFFFFFFFF  }
0xc3: {  	_ =	task.clear_ibuf [dreg:s8], $0x2FFFF;
	_ =	strace $0x9FFFFFFF  }
0xc4: {  	(tm) =	ssettm $0x7FFFFFFF  }
0xc5: {  	_ =	shalt  }
tec
execute0_lowered:
.L_overlay_start_1:
0x0: {  	(tag) =	ssettag $0x1  }
0x1: {  	s5 =	rddreg [dreg:$0x0]  }
0x2: {  	s0 =	srdreg.scid;
	s6 =	rddreg [dreg:$0x1]  }
0x3: {  	s8 =	rddreg [dreg:$0x2];
	s2 =	simm.s32 $0x0;
	s9 =	simm.s32 $0x1  }
0x4: {  	s12 =	simm.s32 $0x3;
	s13 =	simm.s32 $0x8080;
	s3 =	sand.u32 $0x1, s0  }
0x5: {  	s14 =	simm.s32 $0x0;
	s0 =	stileid.u32;
	s1 =	sshll.u32 s3, $0x4  }
0x6: {  	[smem:$0x7FF] =	sst s2;
	s4 =	sand.u32 $0x7, s0;
	s7 =	sor.u32 s0, s1  }
0x7: {  	s3 =	ssub.s32 $0x2, s3;
	p1 =	sne.s32 s4, $0x0;
	p0 =	seq.s32 s7, $0x0  }
0x8: {  	s1 =	rddreg [dreg:$0x3];
	_ =	strace $0x80000047;
	p0 =	por !p1, !p0  }
0x9: {  	s31 =	sshll.u32 s4, $0xF;
	s11 =	sshrl.u32 s3, $0x1;
	p0 =	por !p0, !p0  }
0xa: {  	s4 =	sshll.u32 s4, $0xC;
	s10 =	sshrl.u32 s7, $0x3;
	s9 =	simm.s32 @!p0 $0x0  }
0xb: {  	v0 =	vlaneseq.u32;
	s11 =	ssub.s32 s3, s11;
	s3 =	simm.s32 $0x1;
	s9 =	ssub.s32 s10, s9  }
0xc: {  	v0 =	vor.u32 s4, v0;
	s4 =	sadd.s32 s5, s4;
	s7 =	sshll.u32 s7, $0x1;
	s9 =	sshll.u32 s9, $0x12  }
0xd: {  	s6 =	sadd.s32 s6, s7;
	s7 =	sadd.s32 s8, s7;
	s10 =	sor.u32 s9, s31  }
0xe: {  	vm0 =	vmmov $0x1;
	vm9 =	vcmask $0x704;
	s8 =	smax.u32 s11, $0x1;
	s9 =	sshrl.u32 s9, $0x3;
	s10 =	sor.u32 $0x4000, s10  }
0xf: {  	vm10 =	vcmask $0xB08;
	vm11 =	vcmask $0xF0C;
	vm12 =	vcmask $0x1310;
	s11 =	simm.s32 $0x8000;
	s4 =	sadd.s32 s9, s4;
	s10 =	sshrl.u32 s10, $0x3  }
0x10: {  	vm13 =	vcmask $0x1714;
	vm14 =	vcmask $0x1B18;
	vm15 =	vcmask $0x1F1C;
	s9 =	simm.s32 $0x4000;
	s5 =	sadd.s32 s5, s10;
	s10 =	simm.s32 $0x2  }
.LBB2_1:
0x11: {  	[tilespmem:s2], [sflag:$0x1] =	stream.linear.gather [hbm4b:s4+s2], $0x4000, $0x38;
	[tilespmem:$0x8100] =	vst v63  }
0x12: {  	_ = 	snop  }
0x13: {  	[tilespmem:s9], [sflag:$0x2] =	stream.linear.gather [hbm4b:s5+s2], $0x4000, $0x38;
	[tilespmem:$0x8100] =	vst v63  }
0x14: {  	_ =	swait.ge [sflag:s3], $0x4000  }
0x15: {  	s15 =	sand.u32 $0x70, s2;
	s16 =	sand.u32 $0x3C00, s2;
	[sflag:s3] =	ssyncset.done $0x0  }
0x16: {  	s15 =	sor.u32 s15, s16;
	[sflag:s3] =	ssyncadd.s32 $0xFFFFC000  }
0x17: {  	v1 =	vld [tilespmem:s15+$0x0]  }
0x18: {  	v3 =	vld [tilespmem:s15+$0x80]  }
0x19: {  	v4 =	vld [tilespmem:s15+$0x100]  }
0x1a: {  	s30 =	sand.u32 $0x7, s2;
	v6 =	vld [tilespmem:s15+$0x180]  }
0x1b: {  	s16 =	sshll.u32 s30, $0x4;
	v11 =	vld [tilespmem:s15+$0x200]  }
0x1c: {  	v8 =	vimm.f32 $-1.000000000e+00;
	v7 =	vimm.s32 $0x0;
	s17 =	simm.s32 $0x10;
	v21 =	vimm.f32 $-1.000000000e+00;
	s18 =	sadd.s32 $0x0, s16;
	s16 =	simm.s32 $0x80;
	v10 =	vld [tilespmem:s15+$0x280]  }
0x1d: {  	v23 =	vimm.f32 $-1.000000000e+00;
	v17 =	vimm.s32 $0x0;
	v18 =	vimm.s32 $0x0;
	s19 =	sand.u32 $0x70, s17;
	s20 =	sand.u32 $0x3C00, s16;
	s31 =	sor.u32 $0x380, s18;
	v12 =	vld [tilespmem:s15+$0x300]  }
0x1e: {  	v16 =	vimm.s32 $0x0;
	v19 =	vimm.s32 $0x0;
	v20 =	vimm.s32 $0x0;
	s19 =	sor.u32 s19, s20;
	v22 =	vld [tilespmem:s31+$0x0]  }
0x1f: {  	v15 =	vimm.s32 $0x0;
	v14 =	vld [tilespmem:s19+$0x0];
	vm2 =	vgt.f32 v1, v8;
	vm1 =	vgt.f32 v3, v8  }
0x20: {  	v9 =	vld [tilespmem:s19+$0x80];
	vm4 =	vgt.f32 v4, v8;
	vm3 =	vgt.f32 v11, v8;
	v1 =	vsel vm2, v1, v8  }
0x21: {  	s21 =	simm.s32 $0x1;
	s15 =	simm.s32 $0x1;
	v13 =	vld [tilespmem:s19+$0x100];
	v2 =	vsel vm2, s2, v7;
	v5 =	vsel vm1, v3, v8;
	vm2 =	vgt.f32 v6, v8  }
0x22: {  	s18 =	simm.s32 $0x0;
	s20 =	simm.s32 $0x2;
	s22 =	sand.u32 $0x7, s15;
	v3 =	vsel vm4, v4, v8;
	v4 =	vsel vm2, v6, v8;
	v6 =	vsel vm3, v11, v8;
	v11 =	vld [tilespmem:s19+$0x180]  }
.LBB2_2:
0x23: {  	p0 =	sne.s32 s20, $0x7F;
	s22 =	sshll.u32 s22, $0x4;
	v24 =	vld [tilespmem:s19+$0x200];
	vm5 =	vgt.f32 v10, v8;
	vm6 =	vgt.f32 v12, v21;
	vm7 =	vgt.f32 v22, v23  }
0x24: {  	s17 =	sadd.s32 $0x10, s17;
	s22 =	sadd.s32 s22, s16;
	s16 =	sadd.s32 $0x80, s16;
	v8 =	vsel vm5, v10, v8;
	v10 =	vld [tilespmem:s19+$0x280];
	v21 =	vsel vm6, v12, v21;
	v23 =	vsel vm7, v22, v23;
	v25 =	vmovc v14  }
0x25: {  	v7 =	vsel vm1, s18, v7;
	v17 =	vsel vm4, s18, v17;
	s23 =	sand.u32 $0x70, s17;
	v18 =	vsel vm7, s18, v18;
	s24 =	sand.u32 $0x3C00, s16;
	v12 =	vld [tilespmem:s19+$0x300];
	s22 =	sor.u32 $0x380, s22  }
.Ltmp0:
0x26: {  	v16 =	vsel vm2, s18, v16;
	v19 =	vsel vm3, s18, v19;
	v20 =	vsel vm5, s18, v20;
	s19 =	sor.u32 s23, s24;
	v22 =	vld [tilespmem:s22+$0x0];
	v26 =	vmovc v13;
	(pc) =	sbr.rel @p0 .LBB2_2-.Ltmp0, $4  }
0x27: {  	v15 =	vsel vm6, s18, v15;
	s18 =	smov.u32 s15;
	s15 =	smov.u32 s20;
	vm2 =	vgt.f32 v25, v1;
	vm1 =	vgt.f32 v9, v5;
	v14 =	vld [tilespmem:s19+$0x0]  }
0x28: {  	v1 =	vsel vm2, v25, v1;
	v2 =	vsel vm2, s18, v2;
	v5 =	vsel vm1, v9, v5;
	v9 =	vld [tilespmem:s19+$0x80]  }
0x29: {  	s21 =	sadd.s32 $0x1, s21;
	vm4 =	vgt.f32 v26, v3;
	vm2 =	vgt.f32 v11, v4;
	vm3 =	vgt.f32 v24, v6;
	v13 =	vld [tilespmem:s19+$0x100]  }
0x2a: {  	s20 =	sadd.s32 $0x1, s20;
	s22 =	sand.u32 $0x7, s21;
	v3 =	vsel vm4, v26, v3;
	v4 =	vsel vm2, v11, v4;
	v6 =	vsel vm3, v24, v6;
	v11 =	vld [tilespmem:s19+$0x180]  }
0x2b: {  	s17 =	sshll.u32 s22, $0x4;
	v24 =	vld [tilespmem:s19+$0x200]  }
0x2c: {  	v25 =	vld [tilespmem:s19+$0x280];
	s16 =	sadd.s32 s17, s16  }
0x2d: {  	v26 =	vld [tilespmem:s19+$0x300];
	s16 =	sor.u32 $0x380, s16  }
0x2e: {  	vm5 =	vgt.f32 v10, v8;
	vm6 =	vgt.f32 v12, v21;
	vm7 =	vgt.f32 v22, v23;
	s28 =	simm.s32 $0x0;
	v27 =	vld [tilespmem:s16+$0x0];
	_ =	swait.ge [sflag:s10], $0x4000  }
0x2f: {  	v7 =	vsel vm1, s18, v7;
	v17 =	vsel vm4, s18, v17;
	v16 =	vsel vm2, s18, v16;
	s29 =	sand.u32 $0x70, s28;
	s16 =	sand.u32 $0x3C00, s28;
	[sflag:s10] =	ssyncset.done $0x0  }
0x30: {  	v19 =	vsel vm3, s18, v19;
	v8 =	vsel vm5, v10, v8;
	v10 =	vsel vm6, v12, v21;
	s17 =	sor.u32 s29, s16;
	[sflag:s10] =	ssyncadd.s32 $0xFFFFC000  }
0x31: {  	v12 =	vsel vm7, v22, v23;
	v18 =	vsel vm7, s18, v18;
	v20 =	vsel vm5, s18, v20;
	v21 =	vld [tilespmem:s17+$0x4000]  }
0x32: {  	vm1 =	vgt.f32 v14, v1;
	v15 =	vsel vm6, s18, v15;
	vm2 =	vgt.f32 v9, v5;
	v28 =	vld [tilespmem:s17+$0x4080]  }
0x33: {  	v14 =	vsel vm1, v14, v1;
	v23 =	vsel vm1, s15, v2;
	vm3 =	vgt.f32 v11, v4;
	v29 =	vld [tilespmem:s17+$0x4100]  }
0x34: {  	v9 =	vsel vm2, v9, v5;
	vm1 =	vgt.f32 v13, v3;
	v4 =	vsel vm3, v11, v4;
	v11 =	vld [tilespmem:s17+$0x4180]  }
0x35: {  	v30 =	vsel vm1, v13, v3;
	v13 =	vsel vm2, s15, v7;
	vm4 =	vgt.f32 v24, v6;
	v63 =	vld [tilespmem:s17+$0x4200]  }
0x36: {  	vm5 =	vgt.f32 v25, v8;
	vm6 =	vgt.f32 v26, v10;
	v7 =	vsel vm3, s15, v16;
	v31 =	vld [tilespmem:s17+$0x4280]  }
0x37: {  	s30 =	simm.s32 $0x80;
	s31 =	simm.s32 $0x10;
	v6 =	vsel vm4, v24, v6;
	v25 =	vsel vm5, v25, v8;
	v26 =	vsel vm6, v26, v10;
	v32 =	vld [tilespmem:s17+$0x4300]  }
0x38: {  	s18 =	sand.u32 $0x70, s31;
	s16 =	sand.u32 $0x3C00, s30;
	v10 =	vsel vm1, s15, v17;
	v5 =	vsel vm4, s15, v19;
	vm7 =	vgt.f32 v27, v12  }
0x39: {  	s16 =	sor.u32 s18, s16;
	v3 =	vsel vm5, s15, v20;
	v33 =	vld [tilespmem:s17+$0x4380];
	v2 =	vsel vm6, s15, v15;
	v27 =	vsel vm7, v27, v12  }
0x3a: {  	v22 =	vld [tilespmem:s16+$0x4000];
	v1 =	vsel vm7, s15, v18;
	vm1 =	vgt.f32 v21, v14;
	vm6 =	vgt.f32 v28, v9  }
0x3b: {  	v17 =	vld [tilespmem:s16+$0x4080];
	vm7 =	vgt.f32 v29, v30;
	vm5 =	vgt.f32 v11, v4;
	vm3 =	vgt.f32 v63, v6  }
0x3c: {  	v19 =	vld [tilespmem:s16+$0x4100];
	s15 =	simm.s32 $0x80;
	vm4 =	vgt.f32 v31, v25;
	vm2 =	vgt.f32 v32, v26;
	v21 =	vsel vm1, v21, v14  }
0x3d: {  	v8 =	vld [tilespmem:s16+$0x4280];
	v20 =	vsel vm1, s15, v23;
	v18 =	vsel vm6, v28, v9;
	v16 =	vsel vm7, v29, v30  }
0x3e: {  	s19 =	simm.s32 $0x20;
	v12 =	vld [tilespmem:s16+$0x4200];
	v15 =	vsel vm5, v11, v4;
	v11 =	vsel vm3, v63, v6;
	vm1 =	vgt.f32 v33, v27  }
0x3f: {  	s20 =	simm.s32 $0x82;
	s18 =	simm.s32 $0x100;
	s17 =	simm.s32 $0x81;
	v14 =	vld [tilespmem:s16+$0x4180];
	v9 =	vsel vm4, v31, v25;
	v6 =	vsel vm2, v32, v26;
	v4 =	vsel vm1, v33, v27  }
.LBB2_4:
0x40: {  	s21 =	sand.u32 $0x70, s19;
	s22 =	sand.u32 $0x3C00, s18;
	p0 =	sne.s32 s20, $0xFF;
	v23 =	vld [tilespmem:s16+$0x4300];
	v13 =	vsel vm6, s15, v13;
	v10 =	vsel vm7, s15, v10;
	v7 =	vsel vm5, s15, v7  }
0x41: {  	v5 =	vsel vm3, s15, v5;
	v3 =	vsel vm4, s15, v3;
	v2 =	vsel vm2, s15, v2;
	v24 =	vld [tilespmem:s16+$0x4380];
	s16 =	sor.u32 s21, s22;
	v25 =	vmovc v19  }
0x42: {  	vm2 =	vgt.f32 v22, v21;
	vm6 =	vgt.f32 v17, v18;
	v1 =	vsel vm1, s15, v1;
	s15 =	smov.u32 s17;
	s17 =	smov.u32 s20;
	v26 =	vld [tilespmem:s16+$0x4000]  }
.Ltmp1:
0x43: {  	v21 =	vsel vm2, v22, v21;
	v20 =	vsel vm2, s15, v20;
	v18 =	vsel vm6, v17, v18;
	v17 =	vld [tilespmem:s16+$0x4080];
	(pc) =	sbr.rel @p0 .LBB2_4-.Ltmp1, $4  }
0x44: {  	vm7 =	vgt.f32 v25, v16;
	vm5 =	vgt.f32 v14, v15;
	vm3 =	vgt.f32 v12, v11;
	v19 =	vld [tilespmem:s16+$0x4100]  }
0x45: {  	v16 =	vsel vm7, v25, v16;
	v15 =	vsel vm5, v14, v15;
	v11 =	vsel vm3, v12, v11;
	v14 =	vld [tilespmem:s16+$0x4180]  }
0x46: {  	vm4 =	vgt.f32 v8, v9;
	vm2 =	vgt.f32 v23, v6;
	v12 =	vld [tilespmem:s16+$0x4200];
	vm1 =	vgt.f32 v24, v4  }
0x47: {  	s18 =	sadd.s32 $0x80, s18;
	s19 =	sadd.s32 $0x10, s19;
	s20 =	sadd.s32 $0x1, s20;
	v9 =	vsel vm4, v8, v9;
	v6 =	vsel vm2, v23, v6;
	v8 =	vld [tilespmem:s16+$0x4280];
	v4 =	vsel vm1, v24, v4;
	v22 =	vmovc v26  }
0x48: {  	vm8 =	vgt.f32 v22, v21  }
0x49: {  	v21 =	vsel vm8, v22, v21  }
0x4a: {  	(xrf0) =	vmax.scan.msk.f32 $0xffff, v21;
	_ =	sdelay $0x5  }
0x4b: {  	v20 =	vsel vm8, s17, v20;
	v52, _, _ =	vpop (xrf0)  }
0x4c: {  	v20 =	vshll.u32 v20, $0x4;
	v22 =	vbroadcast v52, $0xF  }
0x4d: {  	v20 =	vadd.s32 v20, v0  }
0x4e: {  	v20 =	vxor.u32 $0x80000000, v20;
	vm8 =	veq.f32 v21, v22  }
0x4f: {  	v20 =	vnsel vm8, $0xC0000000, v20;
	vm8 =	vgt.f32 v17, v18  }
0x50: {  	v17 =	vsel vm8, v17, v18;
	(xrf0) =	vmin.scan.msk.u32 $0xffff, v20  }
0x51: {  	(xrf0) =	vmax.scan.msk.f32 $0xffff, v17;
	_ =	sdelay $0x4  }
0x52: {  	v13 =	vsel vm6, s15, v13;
	v53, _, _ =	vpop (xrf0)  }
0x53: {  	v13 =	vsel vm8, s17, v13;
	v54, _, _ =	vpop (xrf0)  }
0x54: {  	v13 =	vshll.u32 v13, $0x4;
	v20 =	vbroadcast v54, $0xF  }
0x55: {  	v13 =	vadd.s32 v13, v0  }
0x56: {  	v13 =	vxor.u32 $0x80000000, v13;
	vm6 =	veq.f32 v17, v20  }
0x57: {  	v13 =	vnsel vm6, $0xC0000000, v13;
	vm6 =	vgt.f32 v19, v16  }
0x58: {  	v16 =	vsel vm6, v19, v16;
	(xrf0) =	vmin.scan.msk.u32 $0xffff, v13  }
0x59: {  	(xrf0) =	vmax.scan.msk.f32 $0xffff, v16;
	_ =	sdelay $0x4  }
0x5a: {  	v10 =	vsel vm7, s15, v10;
	v13, _, _ =	vpop (xrf0)  }
0x5b: {  	v10 =	vsel vm6, s17, v10;
	v55, _, _ =	vpop (xrf0)  }
0x5c: {  	v10 =	vshll.u32 v10, $0x4;
	v17 =	vbroadcast v55, $0xF  }
0x5d: {  	v10 =	vadd.s32 v10, v0  }
0x5e: {  	v10 =	vxor.u32 $0x80000000, v10;
	vm6 =	veq.f32 v16, v17  }
0x5f: {  	v10 =	vnsel vm6, $0xC0000000, v10;
	vm6 =	vgt.f32 v14, v15  }
0x60: {  	v14 =	vsel vm6, v14, v15;
	(xrf0) =	vmin.scan.msk.u32 $0xffff, v10  }
0x61: {  	(xrf0) =	vmax.scan.msk.f32 $0xffff, v14;
	_ =	sdelay $0x4  }
0x62: {  	v7 =	vsel vm5, s15, v7;
	v10, _, _ =	vpop (xrf0)  }
0x63: {  	v7 =	vsel vm6, s17, v7;
	v56, _, _ =	vpop (xrf0)  }
0x64: {  	v7 =	vshll.u32 v7, $0x4;
	v15 =	vbroadcast v56, $0xF  }
0x65: {  	v7 =	vadd.s32 v7, v0  }
0x66: {  	v7 =	vxor.u32 $0x80000000, v7;
	vm5 =	veq.f32 v14, v15  }
0x67: {  	v7 =	vnsel vm5, $0xC0000000, v7;
	vm5 =	vgt.f32 v12, v11  }
0x68: {  	v11 =	vsel vm5, v12, v11;
	(xrf0) =	vmin.scan.msk.u32 $0xffff, v7  }
0x69: {  	(xrf0) =	vmax.scan.msk.f32 $0xffff, v11;
	_ =	sdelay $0x4  }
0x6a: {  	v5 =	vsel vm3, s15, v5;
	v7, _, _ =	vpop (xrf0)  }
0x6b: {  	v5 =	vsel vm5, s17, v5;
	v57, _, _ =	vpop (xrf0)  }
0x6c: {  	v5 =	vshll.u32 v5, $0x4;
	v12 =	vbroadcast v57, $0xF  }
0x6d: {  	v5 =	vadd.s32 v5, v0  }
0x6e: {  	v5 =	vxor.u32 $0x80000000, v5;
	vm3 =	veq.f32 v11, v12  }
0x6f: {  	v5 =	vnsel vm3, $0xC0000000, v5;
	vm3 =	vgt.f32 v8, v9  }
0x70: {  	v8 =	vsel vm3, v8, v9;
	(xrf0) =	vmin.scan.msk.u32 $0xffff, v5  }
0x71: {  	(xrf0) =	vmax.scan.msk.f32 $0xffff, v8;
	_ =	sdelay $0x4  }
0x72: {  	v3 =	vsel vm4, s15, v3;
	v58 =	vld [tilespmem:s16+$0x4300];
	v59, _, _ =	vpop (xrf0)  }
0x73: {  	v3 =	vsel vm3, s17, v3;
	v60, _, _ =	vpop (xrf0)  }
0x74: {  	v3 =	vshll.u32 v3, $0x4;
	v11 =	vbroadcast v60, $0xF  }
0x75: {  	v3 =	vadd.s32 v3, v0  }
0x76: {  	v3 =	vxor.u32 $0x80000000, v3;
	vm3 =	veq.f32 v8, v11  }
0x77: {  	v3 =	vnsel vm3, $0xC0000000, v3;
	vm3 =	vgt.f32 v58, v6  }
0x78: {  	v5 =	vsel vm3, v58, v6;
	(xrf0) =	vmin.scan.msk.u32 $0xffff, v3  }
0x79: {  	(xrf0) =	vmax.scan.msk.f32 $0xffff, v5;
	_ =	sdelay $0x4  }
0x7a: {  	v2 =	vsel vm2, s15, v2;
	v3 =	vld [tilespmem:s16+$0x4380];
	v61, _, _ =	vpop (xrf0)  }
0x7b: {  	v2 =	vsel vm3, s17, v2;
	v62, _, _ =	vpop (xrf0)  }
0x7c: {  	v2 =	vshll.u32 v2, $0x4;
	v8 =	vbroadcast v62, $0xF  }
0x7d: {  	v2 =	vadd.s32 v2, v0  }
0x7e: {  	v2 =	vxor.u32 $0x80000000, v2;
	vm2 =	veq.f32 v5, v8  }
0x7f: {  	v2 =	vnsel vm2, $0xC0000000, v2;
	vm2 =	vgt.f32 v3, v4  }
0x80: {  	v3 =	vsel vm2, v3, v4;
	(xrf0) =	vmin.scan.msk.u32 $0xffff, v2  }
0x81: {  	(xrf0) =	vmax.scan.msk.f32 $0xffff, v3;
	_ =	sdelay $0x4  }
0x82: {  	v1 =	vsel vm1, s15, v1;
	v2, _, _ =	vpop (xrf0)  }
0x83: {  	v1 =	vsel vm2, s17, v1;
	v63, _, _ =	vpop (xrf0)  }
0x84: {  	v1 =	vshll.u32 v1, $0x4;
	v4 =	vbroadcast v63, $0xF  }
0x85: {  	v1 =	vadd.s32 v1, v0  }
0x86: {  	v1 =	vxor.u32 $0x80000000, v1;
	vm1 =	veq.f32 v3, v4  }
0x87: {  	(v2sf) =	vpush v53, $0xF;
	v1 =	vnsel vm1, $0xC0000000, v1  }
0x88: {  	(xrf0) =	vmin.scan.msk.u32 $0xffff, v1  }
0x89: {  	(v2sf) =	vpush v13, $0xF  }
0x8a: {  	(v2sf) =	vpush v10, $0xF  }
0x8b: {  	(v2sf) =	vpush v7, $0xF  }
0x8c: {  	(v2sf) =	vpush v59, $0xF  }
0x8d: {  	(v2sf) =	vpush v61, $0xF  }
0x8e: {  	(v2sf) =	vpush v2, $0xF;
	v1, _, _ =	vpop (xrf0)  }
0x8f: {  	(v2sf) =	vpush v1, $0xF;
	_ =	sdelay $0x6  }
0x90: {  	s21 =	spop (v2sf)  }
0x91: {  	s15 =	sxor.u32 $0x80000000, s21;
	vm1 =	vcmask $0x320;
	v1 =	vnsel vm0, $0x0, v22  }
0x92: {  	s22 =	spop (v2sf);
	v2 =	vmov s15;
	v1 =	vsel vm1, v1, v20;
	vm1 =	vcmask $0x300  }
0x93: {  	s23 =	spop (v2sf);
	s16 =	sxor.u32 $0x80000000, s22;
	v2 =	vnsel vm1, $0x0, v2;
	vm1 =	vcmask $0x720  }
0x94: {  	s24 =	spop (v2sf);
	s15 =	sxor.u32 $0x80000000, s23;
	v1 =	vsel vm1, v1, v17;
	v2 =	vsel vm9, s16, v2;
	vm1 =	vcmask $0xB20  }
0x95: {  	s25 =	spop (v2sf);
	s17 =	sxor.u32 $0x80000000, s24;
	v1 =	vsel vm1, v1, v15;
	v2 =	vsel vm10, s15, v2;
	vm1 =	vcmask $0xF20  }
0x96: {  	s26 =	spop (v2sf);
	s16 =	sxor.u32 $0x80000000, s25;
	v1 =	vsel vm1, v1, v12;
	v2 =	vsel vm11, s17, v2;
	vm1 =	vcmask $0x1320  }
0x97: {  	s28 =	spop (v2sf);
	s15 =	sxor.u32 $0x80000000, s26;
	v1 =	vsel vm1, v1, v11;
	v2 =	vsel vm12, s16, v2;
	vm1 =	vcmask $0x1720  }
0x98: {  	s29 =	sxor.u32 $0x80000000, s28;
	v1 =	vsel vm1, v1, v8;
	v2 =	vsel vm13, s15, v2;
	vm1 =	vcmask $0x1B20;
	s30 =	spop (v2sf)  }
0x99: {  	v1 =	vsel vm1, v1, v4;
	v2 =	vsel vm14, s29, v2;
	s31 =	sxor.u32 $0x80000000, s30  }
0x9a: {  	[tilespmem:$0x8000] =	vst v1;
	v2 =	vsel vm15, s31, v2  }
0x9b: {  	[tilespmem:$0x8080] =	vst v2  }
0x9c: {  	[hbm4b:s6+s2] =	stream.linear.scatter [tilespmem:s11], [sflag:$0x3], $0x10, $0x38;
	[tilespmem:$0x8100] =	vst v63  }
0x9d: {  	s14 =	sadd.s32 $0x1, s14;
	_ =	swait.ge [sflag:s12], $0x10  }
0x9e: {  	p0 =	sne.s32 s14, s8;
	[sflag:s12] =	ssyncset.done $0x0  }
.Ltmp2:
0x9f: {  	[sflag:s12] =	ssyncadd.s32 $0xFFFFFFF0;
	(pc) =	sbr.rel @p0 .LBB2_1-.Ltmp2, $4  }
0xa0: {  	[hbm4b:s7+s2] =	stream.linear.scatter [tilespmem:s13], [sflag:$0x3], $0x10, $0x38;
	[tilespmem:$0x8100] =	vst v63  }
0xa1: {  	_ =	swait.ge [sflag:s12], $0x10  }
0xa2: {  	[sflag:s12] =	ssyncset.done $0x0  }
0xa3: {  	[sflag:s12] =	ssyncadd.s32 $0xFFFFFFF0  }
0xa4: {  	_ =	sfence.sel $0x180000  }
0xa5: {  	[bflag:$0x0] =	sbarrier.arrive $0xFFFF  }
0xa6: {  	p0 =	sne.s32 s0, $0x0;
	_ =	strace $0x90000047  }
0xa7: {  	s0 =	sadd.s32 @!p0 $0x100000, s1;
	[bflag:$0x2] =	sbarrier.arrive $0xFFFF  }
0xa8: {  	[sflag:s0] =	ssyncadd.tile.s32 @!p0 $0x1;
	_ =	shalt  }
.Lfunc_end2:
_tile_overlayer_lowered:
.L_overlay_start_2:
0xa9: {  	(tag) =	ssettag $0x2  }
0xaa: {  	s0 =	rddreg [dreg:$0x0];
	s2 =	stileid.u32  }
0xab: {  	s1 =	rddreg [dreg:$0x1];
	p0 =	sne.s32 s2, $0x0  }
0xac: {  	s3 =	rddreg [dreg:$0x2];
	[bflag:$0x3] =	sbarrier.arrive $0xFFFF;
	s2 =	simm.s32 @!p0 $0x1C03  }
0xad: {  	[timem:s3], [sflag:s2] =	dma.local @!p0 [hbm:s0], s1  }
0xae: {  	s0 =	simm.s32 @!p0 $0x3  }
0xaf: {  	_ =	swait.ge @!p0 [sflag:s0], s1  }
0xb0: {  	s1 =	ssub.s32 @!p0 $0x0, s1;
	[sflag:s0] =	ssyncset.done @!p0 $0x0  }
0xb1: {  	[sflag:s0] =	ssyncadd.s32 @!p0 s1  }
0xb2: {  	[bflag:$0x3] =	sbarrier.arrive $0xFFFF  }
0xb3: {  	_ =	shalt  }

</sc_bundles>
